<compile_context>
chip_gen: v7x
topology: tpu7x:2x2x1
jax: 0.10.2.dev20260603
libtpu: 0.0.44.dev20260713+nightly
codegen_flags: <defaults>
</compile_context>

<pallas_src>
import functools

import jax
import jax.numpy as jnp
from jax import lax
from jax.experimental import pallas as pl
from jax.experimental.pallas import tpu as pltpu
from jax.experimental.pallas import tpu_sc as plsc

N_BITS = 16
NUM_SAMPLES = 1_000_000
NUM_WORKERS = 32
W = 2560
NCH = 6
COLS_PER_W = W * NCH
SC_COLS = NUM_WORKERS * COLS_PER_W
BLK = 32768
NBLK = 15
TC_COLS = BLK * NBLK
TAIL = NUM_SAMPLES - SC_COLS - TC_COLS
UNROLL = 8
INNER = W // (16 * UNROLL)

_mesh = plsc.VectorSubcoreMesh(core_axis_name="c", subcore_axis_name="s")


@functools.partial(
    pl.kernel,
    out_type=jax.ShapeDtypeStruct((NUM_WORKERS, N_BITS, 16), jnp.float32),
    mesh=_mesh,
    scratch_types=[
        pltpu.VMEM((2, N_BITS, W), jnp.float32),
        pltpu.VMEM((N_BITS, 16), jnp.float32),
        pltpu.VMEM((N_BITS, 16), jnp.float32),
        pltpu.SemaphoreType.DMA,
        pltpu.SemaphoreType.DMA,
    ],
)
def _bitsum_sc(pmat_hbm, ut_hbm, partials_hbm, buf, pmv, avv, sem0, sem1):
    wid = lax.axis_index("s") * 2 + lax.axis_index("c")
    base = pl.multiple_of(wid * COLS_PER_W, 128)

    pltpu.sync_copy(pmat_hbm, pmv)

    sems = (sem0, sem1)

    def start(t, b):
        col = pl.multiple_of(base + t * W, 128)
        return pltpu.async_copy(
            ut_hbm.at[:, pl.ds(col, W)],
            buf.at[b],
            sems[b],
        )

    def wait_for(b):
        pltpu.make_async_copy(
            ut_hbm.at[:, pl.ds(0, W)],
            buf.at[b],
            sems[b],
        ).wait()

    def init_body(i, c):
        avv[i, :] = jnp.zeros((16,), jnp.float32)
        return c

    lax.fori_loop(0, N_BITS, init_body, 0)

    def process(b):
        def bit_body(i, c):
            pv = pmv[i, :]

            def jbody(j, ts):
                col0 = j * (16 * UNROLL)
                out = []
                for k in range(UNROLL):
                    u = buf[b, i, pl.ds(col0 + k * 16, 16)]
                    out.append(ts[k] + jnp.where(u < pv, 1.0, 0.0))
                return tuple(out)

            ts = lax.fori_loop(
                0, INNER, jbody,
                tuple(jnp.zeros((16,), jnp.float32) for _ in range(UNROLL)),
            )
            s = ts[0]
            for t in ts[1:]:
                s = s + t
            avv[i, :] = avv[i, :] + s
            return c

        lax.fori_loop(0, N_BITS, bit_body, 0)

    start(0, 0)
    start(1, 1)

    def step(t, c):
        wait_for(0)
        process(0)
        start(2 * t + 2, 0)
        wait_for(1)
        process(1)
        start(2 * t + 3, 1)
        return c

    lax.fori_loop(0, NCH // 2 - 1, step, 0)
    wait_for(0)
    process(0)
    wait_for(1)
    process(1)

    pltpu.sync_copy(avv, partials_hbm.at[wid])


def _tcount_tc(pmat_ref, ut_ref, out_ref):
    pv = pmat_ref[...][:, 0:1]
    cnt = jnp.sum(
        jnp.where(ut_ref[...] < pv, 1.0, 0.0), axis=1, keepdims=True
    )
    out_ref[...] = jnp.broadcast_to(cnt, (N_BITS, 128))


def _combine_tc(partials_ref, tcc_ref, ops_ref, tail_ref, logits_ref, out_ref):
    probs = 1.0 / (1.0 + jnp.exp(-logits_ref[...]))
    tailcnt = jnp.sum(
        jnp.where(tail_ref[...] < probs[:, None], 1.0, 0.0), axis=1
    )
    total = (
        jnp.sum(partials_ref[...], axis=(0, 2))
        + jnp.sum(tcc_ref[...], axis=1) * (1.0 / 128.0)
        + tailcnt
    )
    m = 1.0 - (2.0 / NUM_SAMPLES) * total
    out_ref[...] = jnp.sum(ops_ref[...] * m[None, :], axis=1)[None, :]


def kernel(logits, uniforms, ops):
    ut = jnp.transpose(uniforms)
    probs = 1.0 / (1.0 + jnp.exp(-logits))
    pmat = jnp.broadcast_to(probs[:, None], (N_BITS, 16))

    partials = _bitsum_sc(pmat, ut)

    tcc = pl.pallas_call(
        _tcount_tc,
        grid=(NBLK,),
        in_specs=[
            pl.BlockSpec((N_BITS, 16), lambda g: (0, 0)),
            pl.BlockSpec((N_BITS, BLK), lambda g: (0, g + SC_COLS // BLK)),
        ],
        out_specs=pl.BlockSpec((N_BITS, 128), lambda g: (0, g)),
        out_shape=jax.ShapeDtypeStruct((N_BITS, NBLK * 128), jnp.float32),
    )(pmat, ut)

    tail = lax.slice(ut, (0, SC_COLS + TC_COLS), (N_BITS, NUM_SAMPLES))
    out = pl.pallas_call(
        _combine_tc,
        out_shape=jax.ShapeDtypeStruct((1, ops.shape[0]), jnp.float32),
    )(partials, tcc, ops, tail, logits)
    return out[0]

# --- scband reference (transcript-rebuilt; emitter-appended) ---
"""Pipeline reference for scband-qhbm-18683107737801 (READ-ONLY COPY).

The authoritative reference and input builder live on the scoring server;
editing this copy changes nothing except your own understanding.
"""

import jax, jax.numpy as jnp
import numpy as np

N_BITS = 16
NUM_OPS = 64
NUM_SAMPLES = 1000000


def setup_inputs(seed: int = 0) -> dict:
    key = jax.random.key(seed)
    k1, k2, k3 = jax.random.split(key, 3)
    logits = jax.random.normal(k1, (N_BITS,), dtype=jnp.float32)
    uniforms = jax.random.uniform(k2, (NUM_SAMPLES, N_BITS), dtype=jnp.float32)
    ops = jax.random.normal(k3, (NUM_OPS, N_BITS), dtype=jnp.float32)
    return {"logits": logits, "uniforms": uniforms, "ops": ops}


def reference(logits, uniforms, ops):
    # --- e_inference.infer(model.energy) + e_inference.sample(num_samples) ---
    # Bernoulli energy model: independent per-bit Bernoulli parameterized by logits.
    probs = jax.nn.sigmoid(logits)
    samples = (uniforms < probs[None, :]).astype(jnp.int32)  # [S, n_bits] bitstrings

    # --- util.unique_bitstrings_with_counts(samples) ---
    # Encode each bitstring as an integer code and histogram with scatter-add.
    powers = (2 ** jnp.arange(N_BITS, dtype=jnp.int32))
    codes = (samples * powers[None, :]).sum(axis=1)  # [S]
    counts = jnp.bincount(codes, length=2 ** N_BITS).astype(jnp.float32)  # [2^n]

    # --- q_inference.expectation over operator shards (PauliMixin-style Z ops) ---
    # Decode every unique bitstring code, map to spins, evaluate each Z-operator shard.
    all_codes = jnp.arange(2 ** N_BITS, dtype=jnp.int32)
    bits = (all_codes[:, None] >> jnp.arange(N_BITS, dtype=jnp.int32)[None, :]) & 1
    spins = 1.0 - 2.0 * bits.astype(jnp.float32)  # [2^n, n_bits]
    shard_exp = spins @ ops.T  # [2^n, num_ops] per-bitstring operator expectations

    # --- reduce=True: count-weighted average over sampled bitstrings ---
    expectation = (counts[:, None] * shard_exp).sum(axis=0) / float(NUM_SAMPLES)
    return expectation  # [num_ops]

if __name__ == "__main__":
    import jax
    _d = setup_inputs()
    print(jax.jit(kernel)(*tuple(_d.values())))

</pallas_src>

<mosaic_0001>
#map = affine_map<(d0, d1) -> (0, 0)>
#map1 = affine_map<(d0, d1) -> (0, 0, 0)>
module attributes {stable_mosaic.version = 14 : i64} {
  func.func @_bitsum_sc(%arg0: i32, %arg1: i32, %arg2: memref<16x16xf32, #tpu.memory_space<hbm>>, %arg3: memref<16x1000000xf32, #tpu.memory_space<hbm>>, %arg4: memref<32x16x16xf32, #tpu.memory_space<hbm>>, %arg5: memref<2x16x2560xf32, #tpu.memory_space<vmem>>, %arg6: memref<16x16xf32, #tpu.memory_space<vmem>>, %arg7: memref<16x16xf32, #tpu.memory_space<vmem>>, %arg8: memref<!tpu.dma_semaphore, #tpu.memory_space<semaphore_mem>>, %arg9: memref<!tpu.dma_semaphore, #tpu.memory_space<semaphore_mem>>) attributes {dimension_semantics = [#tpu.dimension_semantics<core_parallel>, #tpu.dimension_semantics<subcore_parallel>], iteration_bounds = array<i64: 2, 16>, scalar_prefetch = 0 : i64, scratch_operands = 5 : i64, tpu.core_type = #tpu.core_type<sc_vector_subcore>, window_params = [{transform_indices = #map}, {transform_indices = #map}, {transform_indices = #map1}]} {
    %mul3A = arith.constant 2 : i32
    %mul3A_0 = arith.muli %arg1, %mul3A : i32
    %add3A = arith.addi %mul3A_0, %arg0 : i32
    %mul3A_1 = arith.constant 15360 : i32
    %mul3A_2 = arith.muli %add3A, %mul3A_1 : i32
    %multiple_of3A = tpu.assume_multiple %mul3A_2, 128 : i32
    "tpu.region"() ({
      %run_scoped3A = tpu.sem_alloc : memref<!tpu.dma_semaphore, #tpu.memory_space<semaphore_mem>>
      tpu.enqueue_dma source(%arg2 : memref<16x16xf32, #tpu.memory_space<hbm>>) target(%arg6 : memref<16x16xf32, #tpu.memory_space<vmem>>) target_semaphore(%run_scoped3A : memref<!tpu.dma_semaphore, #tpu.memory_space<semaphore_mem>>)
      tpu.wait_dma2 semaphore(%run_scoped3A : memref<!tpu.dma_semaphore, #tpu.memory_space<semaphore_mem>>) src(%arg2 : memref<16x16xf32, #tpu.memory_space<hbm>>) dst(%arg6 : memref<16x16xf32, #tpu.memory_space<vmem>>)
      tpu.yield
    }) : () -> ()
    %scan3A = arith.constant 0 : i32
    %scan3A_3 = arith.constant 0 : i32
    %scan3A_4 = arith.constant 16 : i32
    %scan3A_5 = arith.addi %scan3A_3, %scan3A_4 : i32
    %scan3A_6 = arith.constant 1 : i32
    scf.for %scan3A_86 = %scan3A_3 to %scan3A_5 step %scan3A_6  : i32 {
      %broadcast_in_dim3A = arith.constant 0.000000e+00 : f32
      %broadcast_in_dim3A_87 = vector.broadcast %broadcast_in_dim3A : f32 to vector<16xf32>
      %swap3A = arith.index_cast %scan3A_86 : i32 to index
      %swap3A_88 = arith.constant 0 : index
      %swap3A_89 = tpu.vector_load %arg7[%swap3A, %swap3A_88] {strides = array<i32>} : memref<16x16xf32, #tpu.memory_space<vmem>>, vector<1x16xf32>,
      %swap3A_90 = vector.shape_cast %swap3A_89 : vector<1x16xf32> to vector<16xf32>
      %swap3A_91 = vector.shape_cast %broadcast_in_dim3A_87 : vector<16xf32> to vector<1x16xf32>
      tpu.vector_store %arg7[%swap3A, %swap3A_88], %swap3A_91 {strides = array<i32>} : memref<16x16xf32, #tpu.memory_space<vmem>>, vector<1x16xf32>,
    }
    %scan3A_7 = arith.constant 16 : i32
    %add3A_8 = arith.constant 0 : i32
    %add3A_9 = arith.addi %multiple_of3A, %add3A_8 : i32
    %multiple_of3A_10 = tpu.assume_multiple %add3A_9, 128 : i32
    %dma_start3A = arith.constant 0 : i32
    %dma_start3A_11 = arith.constant 0 : i32
    %dma_start3A_12 = arith.constant 0 : i32
    %dma_start3A_13 = tpu.memref_slice %arg5[%dma_start3A, %dma_start3A_11, %dma_start3A_12] : memref<2x16x2560xf32, #tpu.memory_space<vmem>> -> memref<1x16x2560xf32, #tpu.memory_space<vmem>>
    %dma_start3A_14 = tpu.memref_squeeze %dma_start3A_13 : memref<1x16x2560xf32, #tpu.memory_space<vmem>> -> memref<16x2560xf32, #tpu.memory_space<vmem>>
    %dma_start3A_15 = arith.constant 0 : i32
    %dma_start3A_16 = tpu.memref_slice %arg3[%dma_start3A_15, %multiple_of3A_10] : memref<16x1000000xf32, #tpu.memory_space<hbm>> -> memref<16x2560xf32, #tpu.memory_space<hbm>>
    %dma_start3A_17 = arith.constant 0 : i32
    %dma_start3A_18 = arith.constant 0 : i32
    %dma_start3A_19 = tpu.memref_slice %arg5[%dma_start3A, %dma_start3A_17, %dma_start3A_18] : memref<2x16x2560xf32, #tpu.memory_space<vmem>> -> memref<1x16x2560xf32, #tpu.memory_space<vmem>>
    %dma_start3A_20 = tpu.memref_squeeze %dma_start3A_19 : memref<1x16x2560xf32, #tpu.memory_space<vmem>> -> memref<16x2560xf32, #tpu.memory_space<vmem>>
    %dma_start3A_21 = arith.constant 0 : i32
    %dma_start3A_22 = tpu.memref_slice %arg3[%dma_start3A_21, %multiple_of3A_10] : memref<16x1000000xf32, #tpu.memory_space<hbm>> -> memref<16x2560xf32, #tpu.memory_space<hbm>>
    tpu.enqueue_dma source(%dma_start3A_22 : memref<16x2560xf32, #tpu.memory_space<hbm>>) target(%dma_start3A_20 : memref<16x2560xf32, #tpu.memory_space<vmem>>) target_semaphore(%arg8 : memref<!tpu.dma_semaphore, #tpu.memory_space<semaphore_mem>>)
    %add3A_23 = arith.constant 2560 : i32
    %add3A_24 = arith.addi %multiple_of3A, %add3A_23 : i32
    %multiple_of3A_25 = tpu.assume_multiple %add3A_24, 128 : i32
    %dma_start3A_26 = arith.constant 1 : i32
    %dma_start3A_27 = arith.constant 0 : i32
    %dma_start3A_28 = arith.constant 0 : i32
    %dma_start3A_29 = tpu.memref_slice %arg5[%dma_start3A_26, %dma_start3A_27, %dma_start3A_28] : memref<2x16x2560xf32, #tpu.memory_space<vmem>> -> memref<1x16x2560xf32, #tpu.memory_space<vmem>>
    %dma_start3A_30 = tpu.memref_squeeze %dma_start3A_29 : memref<1x16x2560xf32, #tpu.memory_space<vmem>> -> memref<16x2560xf32, #tpu.memory_space<vmem>>
    %dma_start3A_31 = arith.constant 0 : i32
    %dma_start3A_32 = tpu.memref_slice %arg3[%dma_start3A_31, %multiple_of3A_25] : memref<16x1000000xf32, #tpu.memory_space<hbm>> -> memref<16x2560xf32, #tpu.memory_space<hbm>>
    %dma_start3A_33 = arith.constant 0 : i32
    %dma_start3A_34 = arith.constant 0 : i32
    %dma_start3A_35 = tpu.memref_slice %arg5[%dma_start3A_26, %dma_start3A_33, %dma_start3A_34] : memref<2x16x2560xf32, #tpu.memory_space<vmem>> -> memref<1x16x2560xf32, #tpu.memory_space<vmem>>
    %dma_start3A_36 = tpu.memref_squeeze %dma_start3A_35 : memref<1x16x2560xf32, #tpu.memory_space<vmem>> -> memref<16x2560xf32, #tpu.memory_space<vmem>>
    %dma_start3A_37 = arith.constant 0 : i32
    %dma_start3A_38 = tpu.memref_slice %arg3[%dma_start3A_37, %multiple_of3A_25] : memref<16x1000000xf32, #tpu.memory_space<hbm>> -> memref<16x2560xf32, #tpu.memory_space<hbm>>
    tpu.enqueue_dma source(%dma_start3A_38 : memref<16x2560xf32, #tpu.memory_space<hbm>>) target(%dma_start3A_36 : memref<16x2560xf32, #tpu.memory_space<vmem>>) target_semaphore(%arg9 : memref<!tpu.dma_semaphore, #tpu.memory_space<semaphore_mem>>)
    %scan3A_39 = arith.constant 0 : i32
    %scan3A_40 = arith.constant 0 : i32
    %scan3A_41 = arith.constant 2 : i32
    %scan3A_42 = arith.addi %scan3A_40, %scan3A_41 : i32
    %scan3A_43 = arith.constant 1 : i32
    scf.for %scan3A_86 = %scan3A_40 to %scan3A_42 step %scan3A_43  : i32 {
      %dma_wait3A_87 = arith.constant 0 : i32
      %dma_wait3A_88 = arith.constant 0 : i32
      %dma_wait3A_89 = arith.constant 0 : i32
      %dma_wait3A_90 = tpu.memref_slice %arg5[%dma_wait3A_87, %dma_wait3A_88, %dma_wait3A_89] : memref<2x16x2560xf32, #tpu.memory_space<vmem>> -> memref<1x16x2560xf32, #tpu.memory_space<vmem>>
      %dma_wait3A_91 = tpu.memref_squeeze %dma_wait3A_90 : memref<1x16x2560xf32, #tpu.memory_space<vmem>> -> memref<16x2560xf32, #tpu.memory_space<vmem>>
      %dma_wait3A_92 = arith.constant 0 : i32
      %dma_wait3A_93 = arith.constant 0 : i32
      %dma_wait3A_94 = tpu.memref_slice %arg3[%dma_wait3A_92, %dma_wait3A_93] : memref<16x1000000xf32, #tpu.memory_space<hbm>> -> memref<16x2560xf32, #tpu.memory_space<hbm>>
      %dma_wait3A_95 = arith.constant 0 : i32
      %dma_wait3A_96 = arith.constant 0 : i32
      %dma_wait3A_97 = tpu.memref_slice %arg5[%dma_wait3A_87, %dma_wait3A_95, %dma_wait3A_96] : memref<2x16x2560xf32, #tpu.memory_space<vmem>> -> memref<1x16x2560xf32, #tpu.memory_space<vmem>>
      %dma_wait3A_98 = tpu.memref_squeeze %dma_wait3A_97 : memref<1x16x2560xf32, #tpu.memory_space<vmem>> -> memref<16x2560xf32, #tpu.memory_space<vmem>>
      %dma_wait3A_99 = arith.constant 0 : i32
      %dma_wait3A_100 = arith.constant 0 : i32
      %dma_wait3A_101 = tpu.memref_slice %arg3[%dma_wait3A_99, %dma_wait3A_100] : memref<16x1000000xf32, #tpu.memory_space<hbm>> -> memref<16x2560xf32, #tpu.memory_space<hbm>>
      tpu.wait_dma2 semaphore(%arg8 : memref<!tpu.dma_semaphore, #tpu.memory_space<semaphore_mem>>) src(%dma_wait3A_101 : memref<16x2560xf32, #tpu.memory_space<hbm>>) dst(%dma_wait3A_98 : memref<16x2560xf32, #tpu.memory_space<vmem>>)
      %scan3A_102 = arith.constant 0 : i32
      %scan3A_103 = arith.constant 0 : i32
      %scan3A_104 = arith.constant 16 : i32
      %scan3A_105 = arith.addi %scan3A_103, %scan3A_104 : i32
      %scan3A_106 = arith.constant 1 : i32
      scf.for %scan3A_171 = %scan3A_103 to %scan3A_105 step %scan3A_106  : i32 {
        %get3A = arith.index_cast %scan3A_171 : i32 to index
        %get3A_172 = arith.constant 0 : index
        %get3A_173 = tpu.vector_load %arg6[%get3A, %get3A_172] {strides = array<i32>} : memref<16x16xf32, #tpu.memory_space<vmem>>, vector<1x16xf32>,
        %get3A_174 = vector.shape_cast %get3A_173 : vector<1x16xf32> to vector<16xf32>
        %broadcast_in_dim3A = arith.constant 0.000000e+00 : f32
        %broadcast_in_dim3A_175 = vector.broadcast %broadcast_in_dim3A : f32 to vector<16xf32>
        %broadcast_in_dim3A_176 = arith.constant 0.000000e+00 : f32
        %broadcast_in_dim3A_177 = vector.broadcast %broadcast_in_dim3A_176 : f32 to vector<16xf32>
        %broadcast_in_dim3A_178 = arith.constant 0.000000e+00 : f32
        %broadcast_in_dim3A_179 = vector.broadcast %broadcast_in_dim3A_178 : f32 to vector<16xf32>
        %broadcast_in_dim3A_180 = arith.constant 0.000000e+00 : f32
        %broadcast_in_dim3A_181 = vector.broadcast %broadcast_in_dim3A_180 : f32 to vector<16xf32>
        %broadcast_in_dim3A_182 = arith.constant 0.000000e+00 : f32
        %broadcast_in_dim3A_183 = vector.broadcast %broadcast_in_dim3A_182 : f32 to vector<16xf32>
        %broadcast_in_dim3A_184 = arith.constant 0.000000e+00 : f32
        %broadcast_in_dim3A_185 = vector.broadcast %broadcast_in_dim3A_184 : f32 to vector<16xf32>
        %broadcast_in_dim3A_186 = arith.constant 0.000000e+00 : f32
        %broadcast_in_dim3A_187 = vector.broadcast %broadcast_in_dim3A_186 : f32 to vector<16xf32>
        %broadcast_in_dim3A_188 = arith.constant 0.000000e+00 : f32
        %broadcast_in_dim3A_189 = vector.broadcast %broadcast_in_dim3A_188 : f32 to vector<16xf32>
        %scan3A_190 = arith.constant 0 : i32
        %scan3A_191 = arith.constant 20 : i32
        %scan3A_192 = arith.addi %scan3A_190, %scan3A_191 : i32
        %scan3A_193 = arith.constant 1 : i32
        %scan3A_194:8 = scf.for %scan3A_212 = %scan3A_190 to %scan3A_192 step %scan3A_193 iter_args(%scan3A_213 = %broadcast_in_dim3A_175, %scan3A_214 = %broadcast_in_dim3A_177, %scan3A_215 = %broadcast_in_dim3A_179, %scan3A_216 = %broadcast_in_dim3A_181, %scan3A_217 = %broadcast_in_dim3A_183, %scan3A_218 = %broadcast_in_dim3A_185, %scan3A_219 = %broadcast_in_dim3A_187, %scan3A_220 = %broadcast_in_dim3A_189) -> (vector<16xf32>, vector<16xf32>, vector<16xf32>, vector<16xf32>, vector<16xf32>, vector<16xf32>, vector<16xf32>, vector<16xf32>)  : i32 {
          %mul3A_221 = arith.constant 128 : i32
          %mul3A_222 = arith.muli %scan3A_212, %mul3A_221 : i32
          %add3A_223 = arith.constant 0 : i32
          %add3A_224 = arith.addi %mul3A_222, %add3A_223 : i32
          %get3A_225 = arith.constant 0 : i32
          %get3A_226 = arith.index_cast %get3A_225 : i32 to index
          %get3A_227 = arith.index_cast %scan3A_171 : i32 to index
          %get3A_228 = arith.index_cast %add3A_224 : i32 to index
          %get3A_229 = tpu.vector_load %arg5[%get3A_226, %get3A_227, %get3A_228] {strides = array<i32>} : memref<2x16x2560xf32, #tpu.memory_space<vmem>>, vector<1x1x16xf32>,
          %get3A_230 = vector.shape_cast %get3A_229 : vector<1x1x16xf32> to vector<16xf32>
          %lt3A = arith.cmpf olt, %get3A_230, %get3A_174 : vector<16xf32>
          %jit3A = arith.constant 1.000000e+00 : f32
          %jit3A_231 = arith.constant 0.000000e+00 : f32
          %broadcast_in_dim3A_232 = vector.broadcast %jit3A : f32 to vector<16xf32>
          %broadcast_in_dim3A_233 = vector.broadcast %jit3A_231 : f32 to vector<16xf32>
          %select_n3A = arith.select %lt3A, %broadcast_in_dim3A_232, %broadcast_in_dim3A_233 : vector<16xi1>, vector<16xf32>
          %add3A_234 = arith.addf %scan3A_213, %select_n3A : vector<16xf32>
          %add3A_235 = arith.constant 16 : i32
          %add3A_236 = arith.addi %mul3A_222, %add3A_235 : i32
          %get3A_237 = arith.constant 0 : i32
          %get3A_238 = arith.index_cast %get3A_237 : i32 to index
          %get3A_239 = arith.index_cast %scan3A_171 : i32 to index
          %get3A_240 = arith.index_cast %add3A_236 : i32 to index
          %get3A_241 = tpu.vector_load %arg5[%get3A_238, %get3A_239, %get3A_240] {strides = array<i32>} : memref<2x16x2560xf32, #tpu.memory_space<vmem>>, vector<1x1x16xf32>,
          %get3A_242 = vector.shape_cast %get3A_241 : vector<1x1x16xf32> to vector<16xf32>
          %lt3A_243 = arith.cmpf olt, %get3A_242, %get3A_174 : vector<16xf32>
          %jit3A_244 = arith.constant 1.000000e+00 : f32
          %jit3A_245 = arith.constant 0.000000e+00 : f32
          %broadcast_in_dim3A_246 = vector.broadcast %jit3A_244 : f32 to vector<16xf32>
          %broadcast_in_dim3A_247 = vector.broadcast %jit3A_245 : f32 to vector<16xf32>
          %select_n3A_248 = arith.select %lt3A_243, %broadcast_in_dim3A_246, %broadcast_in_dim3A_247 : vector<16xi1>, vector<16xf32>
          %add3A_249 = arith.addf %scan3A_214, %select_n3A_248 : vector<16xf32>
          %add3A_250 = arith.constant 32 : i32
          %add3A_251 = arith.addi %mul3A_222, %add3A_250 : i32
          %get3A_252 = arith.constant 0 : i32
          %get3A_253 = arith.index_cast %get3A_252 : i32 to index
          %get3A_254 = arith.index_cast %scan3A_171 : i32 to index
          %get3A_255 = arith.index_cast %add3A_251 : i32 to index
          %get3A_256 = tpu.vector_load %arg5[%get3A_253, %get3A_254, %get3A_255] {strides = array<i32>} : memref<2x16x2560xf32, #tpu.memory_space<vmem>>, vector<1x1x16xf32>,
          %get3A_257 = vector.shape_cast %get3A_256 : vector<1x1x16xf32> to vector<16xf32>
          %lt3A_258 = arith.cmpf olt, %get3A_257, %get3A_174 : vector<16xf32>
          %jit3A_259 = arith.constant 1.000000e+00 : f32
          %jit3A_260 = arith.constant 0.000000e+00 : f32
          %broadcast_in_dim3A_261 = vector.broadcast %jit3A_259 : f32 to vector<16xf32>
          %broadcast_in_dim3A_262 = vector.broadcast %jit3A_260 : f32 to vector<16xf32>
          %select_n3A_263 = arith.select %lt3A_258, %broadcast_in_dim3A_261, %broadcast_in_dim3A_262 : vector<16xi1>, vector<16xf32>
          %add3A_264 = arith.addf %scan3A_215, %select_n3A_263 : vector<16xf32>
          %add3A_265 = arith.constant 48 : i32
          %add3A_266 = arith.addi %mul3A_222, %add3A_265 : i32
          %get3A_267 = arith.constant 0 : i32
          %get3A_268 = arith.index_cast %get3A_267 : i32 to index
          %get3A_269 = arith.index_cast %scan3A_171 : i32 to index
          %get3A_270 = arith.index_cast %add3A_266 : i32 to index
          %get3A_271 = tpu.vector_load %arg5[%get3A_268, %get3A_269, %get3A_270] {strides = array<i32>} : memref<2x16x2560xf32, #tpu.memory_space<vmem>>, vector<1x1x16xf32>,
          %get3A_272 = vector.shape_cast %get3A_271 : vector<1x1x16xf32> to vector<16xf32>
          %lt3A_273 = arith.cmpf olt, %get3A_272, %get3A_174 : vector<16xf32>
          %jit3A_274 = arith.constant 1.000000e+00 : f32
          %jit3A_275 = arith.constant 0.000000e+00 : f32
          %broadcast_in_dim3A_276 = vector.broadcast %jit3A_274 : f32 to vector<16xf32>
          %broadcast_in_dim3A_277 = vector.broadcast %jit3A_275 : f32 to vector<16xf32>
          %select_n3A_278 = arith.select %lt3A_273, %broadcast_in_dim3A_276, %broadcast_in_dim3A_277 : vector<16xi1>, vector<16xf32>
          %add3A_279 = arith.addf %scan3A_216, %select_n3A_278 : vector<16xf32>
          %add3A_280 = arith.constant 64 : i32
          %add3A_281 = arith.addi %mul3A_222, %add3A_280 : i32
          %get3A_282 = arith.constant 0 : i32
          %get3A_283 = arith.index_cast %get3A_282 : i32 to index
          %get3A_284 = arith.index_cast %scan3A_171 : i32 to index
          %get3A_285 = arith.index_cast %add3A_281 : i32 to index
          %get3A_286 = tpu.vector_load %arg5[%get3A_283, %get3A_284, %get3A_285] {strides = array<i32>} : memref<2x16x2560xf32, #tpu.memory_space<vmem>>, vector<1x1x16xf32>,
          %get3A_287 = vector.shape_cast %get3A_286 : vector<1x1x16xf32> to vector<16xf32>
          %lt3A_288 = arith.cmpf olt, %get3A_287, %get3A_174 : vector<16xf32>
          %jit3A_289 = arith.constant 1.000000e+00 : f32
          %jit3A_290 = arith.constant 0.000000e+00 : f32
          %broadcast_in_dim3A_291 = vector.broadcast %jit3A_289 : f32 to vector<16xf32>
          %broadcast_in_dim3A_292 = vector.broadcast %jit3A_290 : f32 to vector<16xf32>
          %select_n3A_293 = arith.select %lt3A_288, %broadcast_in_dim3A_291, %broadcast_in_dim3A_292 : vector<16xi1>, vector<16xf32>
          %add3A_294 = arith.addf %scan3A_217, %select_n3A_293 : vector<16xf32>
          %add3A_295 = arith.constant 80 : i32
          %add3A_296 = arith.addi %mul3A_222, %add3A_295 : i32
          %get3A_297 = arith.constant 0 : i32
          %get3A_298 = arith.index_cast %get3A_297 : i32 to index
          %get3A_299 = arith.index_cast %scan3A_171 : i32 to index
          %get3A_300 = arith.index_cast %add3A_296 : i32 to index
          %get3A_301 = tpu.vector_load %arg5[%get3A_298, %get3A_299, %get3A_300] {strides = array<i32>} : memref<2x16x2560xf32, #tpu.memory_space<vmem>>, vector<1x1x16xf32>,
          %get3A_302 = vector.shape_cast %get3A_301 : vector<1x1x16xf32> to vector<16xf32>
          %lt3A_303 = arith.cmpf olt, %get3A_302, %get3A_174 : vector<16xf32>
          %jit3A_304 = arith.constant 1.000000e+00 : f32
          %jit3A_305 = arith.constant 0.000000e+00 : f32
          %broadcast_in_dim3A_306 = vector.broadcast %jit3A_304 : f32 to vector<16xf32>
          %broadcast_in_dim3A_307 = vector.broadcast %jit3A_305 : f32 to vector<16xf32>
          %select_n3A_308 = arith.select %lt3A_303, %broadcast_in_dim3A_306, %broadcast_in_dim3A_307 : vector<16xi1>, vector<16xf32>
          %add3A_309 = arith.addf %scan3A_218, %select_n3A_308 : vector<16xf32>
          %add3A_310 = arith.constant 96 : i32
          %add3A_311 = arith.addi %mul3A_222, %add3A_310 : i32
          %get3A_312 = arith.constant 0 : i32
          %get3A_313 = arith.index_cast %get3A_312 : i32 to index
          %get3A_314 = arith.index_cast %scan3A_171 : i32 to index
          %get3A_315 = arith.index_cast %add3A_311 : i32 to index
          %get3A_316 = tpu.vector_load %arg5[%get3A_313, %get3A_314, %get3A_315] {strides = array<i32>} : memref<2x16x2560xf32, #tpu.memory_space<vmem>>, vector<1x1x16xf32>,
          %get3A_317 = vector.shape_cast %get3A_316 : vector<1x1x16xf32> to vector<16xf32>
          %lt3A_318 = arith.cmpf olt, %get3A_317, %get3A_174 : vector<16xf32>
          %jit3A_319 = arith.constant 1.000000e+00 : f32
          %jit3A_320 = arith.constant 0.000000e+00 : f32
          %broadcast_in_dim3A_321 = vector.broadcast %jit3A_319 : f32 to vector<16xf32>
          %broadcast_in_dim3A_322 = vector.broadcast %jit3A_320 : f32 to vector<16xf32>
          %select_n3A_323 = arith.select %lt3A_318, %broadcast_in_dim3A_321, %broadcast_in_dim3A_322 : vector<16xi1>, vector<16xf32>
          %add3A_324 = arith.addf %scan3A_219, %select_n3A_323 : vector<16xf32>
          %add3A_325 = arith.constant 112 : i32
          %add3A_326 = arith.addi %mul3A_222, %add3A_325 : i32
          %get3A_327 = arith.constant 0 : i32
          %get3A_328 = arith.index_cast %get3A_327 : i32 to index
          %get3A_329 = arith.index_cast %scan3A_171 : i32 to index
          %get3A_330 = arith.index_cast %add3A_326 : i32 to index
          %get3A_331 = tpu.vector_load %arg5[%get3A_328, %get3A_329, %get3A_330] {strides = array<i32>} : memref<2x16x2560xf32, #tpu.memory_space<vmem>>, vector<1x1x16xf32>,
          %get3A_332 = vector.shape_cast %get3A_331 : vector<1x1x16xf32> to vector<16xf32>
          %lt3A_333 = arith.cmpf olt, %get3A_332, %get3A_174 : vector<16xf32>
          %jit3A_334 = arith.constant 1.000000e+00 : f32
          %jit3A_335 = arith.constant 0.000000e+00 : f32
          %broadcast_in_dim3A_336 = vector.broadcast %jit3A_334 : f32 to vector<16xf32>
          %broadcast_in_dim3A_337 = vector.broadcast %jit3A_335 : f32 to vector<16xf32>
          %select_n3A_338 = arith.select %lt3A_333, %broadcast_in_dim3A_336, %broadcast_in_dim3A_337 : vector<16xi1>, vector<16xf32>
          %add3A_339 = arith.addf %scan3A_220, %select_n3A_338 : vector<16xf32>
          scf.yield %add3A_234, %add3A_249, %add3A_264, %add3A_279, %add3A_294, %add3A_309, %add3A_324, %add3A_339 : vector<16xf32>, vector<16xf32>, vector<16xf32>, vector<16xf32>, vector<16xf32>, vector<16xf32>, vector<16xf32>, vector<16xf32>
        }
        %scan3A_195 = arith.constant 20 : i32
        %add3A_196 = arith.addf %scan3A_194#0, %scan3A_194#1 : vector<16xf32>
        %add3A_197 = arith.addf %add3A_196, %scan3A_194#2 : vector<16xf32>
        %add3A_198 = arith.addf %add3A_197, %scan3A_194#3 : vector<16xf32>
        %add3A_199 = arith.addf %add3A_198, %scan3A_194#4 : vector<16xf32>
        %add3A_200 = arith.addf %add3A_199, %scan3A_194#5 : vector<16xf32>
        %add3A_201 = arith.addf %add3A_200, %scan3A_194#6 : vector<16xf32>
        %add3A_202 = arith.addf %add3A_201, %scan3A_194#7 : vector<16xf32>
        %get3A_203 = arith.index_cast %scan3A_171 : i32 to index
        %get3A_204 = arith.constant 0 : index
        %get3A_205 = tpu.vector_load %arg7[%get3A_203, %get3A_204] {strides = array<i32>} : memref<16x16xf32, #tpu.memory_space<vmem>>, vector<1x16xf32>,
        %get3A_206 = vector.shape_cast %get3A_205 : vector<1x16xf32> to vector<16xf32>
        %add3A_207 = arith.addf %get3A_206, %add3A_202 : vector<16xf32>
        %swap3A = arith.index_cast %scan3A_171 : i32 to index
        %swap3A_208 = arith.constant 0 : index
        %swap3A_209 = tpu.vector_load %arg7[%swap3A, %swap3A_208] {strides = array<i32>} : memref<16x16xf32, #tpu.memory_space<vmem>>, vector<1x16xf32>,
        %swap3A_210 = vector.shape_cast %swap3A_209 : vector<1x16xf32> to vector<16xf32>
        %swap3A_211 = vector.shape_cast %add3A_207 : vector<16xf32> to vector<1x16xf32>
        tpu.vector_store %arg7[%swap3A, %swap3A_208], %swap3A_211 {strides = array<i32>} : memref<16x16xf32, #tpu.memory_space<vmem>>, vector<1x16xf32>,
      }
      %scan3A_107 = arith.constant 16 : i32
      %mul3A_108 = arith.constant 2 : i32
      %mul3A_109 = arith.muli %mul3A_108, %scan3A_86 : i32
      %add3A_110 = arith.constant 2 : i32
      %add3A_111 = arith.addi %mul3A_109, %add3A_110 : i32
      %mul3A_112 = arith.constant 2560 : i32
      %mul3A_113 = arith.muli %add3A_111, %mul3A_112 : i32
      %add3A_114 = arith.addi %multiple_of3A, %mul3A_113 : i32
      %multiple_of3A_115 = tpu.assume_multiple %add3A_114, 128 : i32
      %dma_start3A_116 = arith.constant 0 : i32
      %dma_start3A_117 = arith.constant 0 : i32
      %dma_start3A_118 = arith.constant 0 : i32
      %dma_start3A_119 = tpu.memref_slice %arg5[%dma_start3A_116, %dma_start3A_117, %dma_start3A_118] : memref<2x16x2560xf32, #tpu.memory_space<vmem>> -> memref<1x16x2560xf32, #tpu.memory_space<vmem>>
      %dma_start3A_120 = tpu.memref_squeeze %dma_start3A_119 : memref<1x16x2560xf32, #tpu.memory_space<vmem>> -> memref<16x2560xf32, #tpu.memory_space<vmem>>
      %dma_start3A_121 = arith.constant 0 : i32
      %dma_start3A_122 = tpu.memref_slice %arg3[%dma_start3A_121, %multiple_of3A_115] : memref<16x1000000xf32, #tpu.memory_space<hbm>> -> memref<16x2560xf32, #tpu.memory_space<hbm>>
      %dma_start3A_123 = arith.constant 0 : i32
      %dma_start3A_124 = arith.constant 0 : i32
      %dma_start3A_125 = tpu.memref_slice %arg5[%dma_start3A_116, %dma_start3A_123, %dma_start3A_124] : memref<2x16x2560xf32, #tpu.memory_space<vmem>> -> memref<1x16x2560xf32, #tpu.memory_space<vmem>>
      %dma_start3A_126 = tpu.memref_squeeze %dma_start3A_125 : memref<1x16x2560xf32, #tpu.memory_space<vmem>> -> memref<16x2560xf32, #tpu.memory_space<vmem>>
      %dma_start3A_127 = arith.constant 0 : i32
      %dma_start3A_128 = tpu.memref_slice %arg3[%dma_start3A_127, %multiple_of3A_115] : memref<16x1000000xf32, #tpu.memory_space<hbm>> -> memref<16x2560xf32, #tpu.memory_space<hbm>>
      tpu.enqueue_dma source(%dma_start3A_128 : memref<16x2560xf32, #tpu.memory_space<hbm>>) target(%dma_start3A_126 : memref<16x2560xf32, #tpu.memory_space<vmem>>) target_semaphore(%arg8 : memref<!tpu.dma_semaphore, #tpu.memory_space<semaphore_mem>>)
      %dma_wait3A_129 = arith.constant 1 : i32
      %dma_wait3A_130 = arith.constant 0 : i32
      %dma_wait3A_131 = arith.constant 0 : i32
      %dma_wait3A_132 = tpu.memref_slice %arg5[%dma_wait3A_129, %dma_wait3A_130, %dma_wait3A_131] : memref<2x16x2560xf32, #tpu.memory_space<vmem>> -> memref<1x16x2560xf32, #tpu.memory_space<vmem>>
      %dma_wait3A_133 = tpu.memref_squeeze %dma_wait3A_132 : memref<1x16x2560xf32, #tpu.memory_space<vmem>> -> memref<16x2560xf32, #tpu.memory_space<vmem>>
      %dma_wait3A_134 = arith.constant 0 : i32
      %dma_wait3A_135 = arith.constant 0 : i32
      %dma_wait3A_136 = tpu.memref_slice %arg3[%dma_wait3A_134, %dma_wait3A_135] : memref<16x1000000xf32, #tpu.memory_space<hbm>> -> memref<16x2560xf32, #tpu.memory_space<hbm>>
      %dma_wait3A_137 = arith.constant 0 : i32
      %dma_wait3A_138 = arith.constant 0 : i32
      %dma_wait3A_139 = tpu.memref_slice %arg5[%dma_wait3A_129, %dma_wait3A_137, %dma_wait3A_138] : memref<2x16x2560xf32, #tpu.memory_space<vmem>> -> memref<1x16x2560xf32, #tpu.memory_space<vmem>>
      %dma_wait3A_140 = tpu.memref_squeeze %dma_wait3A_139 : memref<1x16x2560xf32, #tpu.memory_space<vmem>> -> memref<16x2560xf32, #tpu.memory_space<vmem>>
      %dma_wait3A_141 = arith.constant 0 : i32
      %dma_wait3A_142 = arith.constant 0 : i32
      %dma_wait3A_143 = tpu.memref_slice %arg3[%dma_wait3A_141, %dma_wait3A_142] : memref<16x1000000xf32, #tpu.memory_space<hbm>> -> memref<16x2560xf32, #tpu.memory_space<hbm>>
      tpu.wait_dma2 semaphore(%arg9 : memref<!tpu.dma_semaphore, #tpu.memory_space<semaphore_mem>>) src(%dma_wait3A_143 : memref<16x2560xf32, #tpu.memory_space<hbm>>) dst(%dma_wait3A_140 : memref<16x2560xf32, #tpu.memory_space<vmem>>)
      %scan3A_144 = arith.constant 0 : i32
      %scan3A_145 = arith.constant 0 : i32
      %scan3A_146 = arith.constant 16 : i32
      %scan3A_147 = arith.addi %scan3A_145, %scan3A_146 : i32
      %scan3A_148 = arith.constant 1 : i32
      scf.for %scan3A_171 = %scan3A_145 to %scan3A_147 step %scan3A_148  : i32 {
        %get3A = arith.index_cast %scan3A_171 : i32 to index
        %get3A_172 = arith.constant 0 : index
        %get3A_173 = tpu.vector_load %arg6[%get3A, %get3A_172] {strides = array<i32>} : memref<16x16xf32, #tpu.memory_space<vmem>>, vector<1x16xf32>,
        %get3A_174 = vector.shape_cast %get3A_173 : vector<1x16xf32> to vector<16xf32>
        %broadcast_in_dim3A = arith.constant 0.000000e+00 : f32
        %broadcast_in_dim3A_175 = vector.broadcast %broadcast_in_dim3A : f32 to vector<16xf32>
        %broadcast_in_dim3A_176 = arith.constant 0.000000e+00 : f32
        %broadcast_in_dim3A_177 = vector.broadcast %broadcast_in_dim3A_176 : f32 to vector<16xf32>
        %broadcast_in_dim3A_178 = arith.constant 0.000000e+00 : f32
        %broadcast_in_dim3A_179 = vector.broadcast %broadcast_in_dim3A_178 : f32 to vector<16xf32>
        %broadcast_in_dim3A_180 = arith.constant 0.000000e+00 : f32
        %broadcast_in_dim3A_181 = vector.broadcast %broadcast_in_dim3A_180 : f32 to vector<16xf32>
        %broadcast_in_dim3A_182 = arith.constant 0.000000e+00 : f32
        %broadcast_in_dim3A_183 = vector.broadcast %broadcast_in_dim3A_182 : f32 to vector<16xf32>
        %broadcast_in_dim3A_184 = arith.constant 0.000000e+00 : f32
        %broadcast_in_dim3A_185 = vector.broadcast %broadcast_in_dim3A_184 : f32 to vector<16xf32>
        %broadcast_in_dim3A_186 = arith.constant 0.000000e+00 : f32
        %broadcast_in_dim3A_187 = vector.broadcast %broadcast_in_dim3A_186 : f32 to vector<16xf32>
        %broadcast_in_dim3A_188 = arith.constant 0.000000e+00 : f32
        %broadcast_in_dim3A_189 = vector.broadcast %broadcast_in_dim3A_188 : f32 to vector<16xf32>
        %scan3A_190 = arith.constant 0 : i32
        %scan3A_191 = arith.constant 20 : i32
        %scan3A_192 = arith.addi %scan3A_190, %scan3A_191 : i32
        %scan3A_193 = arith.constant 1 : i32
        %scan3A_194:8 = scf.for %scan3A_212 = %scan3A_190 to %scan3A_192 step %scan3A_193 iter_args(%scan3A_213 = %broadcast_in_dim3A_175, %scan3A_214 = %broadcast_in_dim3A_177, %scan3A_215 = %broadcast_in_dim3A_179, %scan3A_216 = %broadcast_in_dim3A_181, %scan3A_217 = %broadcast_in_dim3A_183, %scan3A_218 = %broadcast_in_dim3A_185, %scan3A_219 = %broadcast_in_dim3A_187, %scan3A_220 = %broadcast_in_dim3A_189) -> (vector<16xf32>, vector<16xf32>, vector<16xf32>, vector<16xf32>, vector<16xf32>, vector<16xf32>, vector<16xf32>, vector<16xf32>)  : i32 {
          %mul3A_221 = arith.constant 128 : i32
          %mul3A_222 = arith.muli %scan3A_212, %mul3A_221 : i32
          %add3A_223 = arith.constant 0 : i32
          %add3A_224 = arith.addi %mul3A_222, %add3A_223 : i32
          %get3A_225 = arith.constant 1 : i32
          %get3A_226 = arith.index_cast %get3A_225 : i32 to index
          %get3A_227 = arith.index_cast %scan3A_171 : i32 to index
          %get3A_228 = arith.index_cast %add3A_224 : i32 to index
          %get3A_229 = tpu.vector_load %arg5[%get3A_226, %get3A_227, %get3A_228] {strides = array<i32>} : memref<2x16x2560xf32, #tpu.memory_space<vmem>>, vector<1x1x16xf32>,
          %get3A_230 = vector.shape_cast %get3A_229 : vector<1x1x16xf32> to vector<16xf32>
          %lt3A = arith.cmpf olt, %get3A_230, %get3A_174 : vector<16xf32>
          %jit3A = arith.constant 1.000000e+00 : f32
          %jit3A_231 = arith.constant 0.000000e+00 : f32
          %broadcast_in_dim3A_232 = vector.broadcast %jit3A : f32 to vector<16xf32>
          %broadcast_in_dim3A_233 = vector.broadcast %jit3A_231 : f32 to vector<16xf32>
          %select_n3A = arith.select %lt3A, %broadcast_in_dim3A_232, %broadcast_in_dim3A_233 : vector<16xi1>, vector<16xf32>
          %add3A_234 = arith.addf %scan3A_213, %select_n3A : vector<16xf32>
          %add3A_235 = arith.constant 16 : i32
          %add3A_236 = arith.addi %mul3A_222, %add3A_235 : i32
          %get3A_237 = arith.constant 1 : i32
          %get3A_238 = arith.index_cast %get3A_237 : i32 to index
          %get3A_239 = arith.index_cast %scan3A_171 : i32 to index
          %get3A_240 = arith.index_cast %add3A_236 : i32 to index
          %get3A_241 = tpu.vector_load %arg5[%get3A_238, %get3A_239, %get3A_240] {strides = array<i32>} : memref<2x16x2560xf32, #tpu.memory_space<vmem>>, vector<1x1x16xf32>,
          %get3A_242 = vector.shape_cast %get3A_241 : vector<1x1x16xf32> to vector<16xf32>
          %lt3A_243 = arith.cmpf olt, %get3A_242, %get3A_174 : vector<16xf32>
          %jit3A_244 = arith.constant 1.000000e+00 : f32
          %jit3A_245 = arith.constant 0.000000e+00 : f32
          %broadcast_in_dim3A_246 = vector.broadcast %jit3A_244 : f32 to vector<16xf32>
          %broadcast_in_dim3A_247 = vector.broadcast %jit3A_245 : f32 to vector<16xf32>
          %select_n3A_248 = arith.select %lt3A_243, %broadcast_in_dim3A_246, %broadcast_in_dim3A_247 : vector<16xi1>, vector<16xf32>
          %add3A_249 = arith.addf %scan3A_214, %select_n3A_248 : vector<16xf32>
          %add3A_250 = arith.constant 32 : i32
          %add3A_251 = arith.addi %mul3A_222, %add3A_250 : i32
          %get3A_252 = arith.constant 1 : i32
          %get3A_253 = arith.index_cast %get3A_252 : i32 to index
          %get3A_254 = arith.index_cast %scan3A_171 : i32 to index
          %get3A_255 = arith.index_cast %add3A_251 : i32 to index
          %get3A_256 = tpu.vector_load %arg5[%get3A_253, %get3A_254, %get3A_255] {strides = array<i32>} : memref<2x16x2560xf32, #tpu.memory_space<vmem>>, vector<1x1x16xf32>,
          %get3A_257 = vector.shape_cast %get3A_256 : vector<1x1x16xf32> to vector<16xf32>
          %lt3A_258 = arith.cmpf olt, %get3A_257, %get3A_174 : vector<16xf32>
          %jit3A_259 = arith.constant 1.000000e+00 : f32
          %jit3A_260 = arith.constant 0.000000e+00 : f32
          %broadcast_in_dim3A_261 = vector.broadcast %jit3A_259 : f32 to vector<16xf32>
          %broadcast_in_dim3A_262 = vector.broadcast %jit3A_260 : f32 to vector<16xf32>
          %select_n3A_263 = arith.select %lt3A_258, %broadcast_in_dim3A_261, %broadcast_in_dim3A_262 : vector<16xi1>, vector<16xf32>
          %add3A_264 = arith.addf %scan3A_215, %select_n3A_263 : vector<16xf32>
          %add3A_265 = arith.constant 48 : i32
          %add3A_266 = arith.addi %mul3A_222, %add3A_265 : i32
          %get3A_267 = arith.constant 1 : i32
          %get3A_268 = arith.index_cast %get3A_267 : i32 to index
          %get3A_269 = arith.index_cast %scan3A_171 : i32 to index
          %get3A_270 = arith.index_cast %add3A_266 : i32 to index
          %get3A_271 = tpu.vector_load %arg5[%get3A_268, %get3A_269, %get3A_270] {strides = array<i32>} : memref<2x16x2560xf32, #tpu.memory_space<vmem>>, vector<1x1x16xf32>,
          %get3A_272 = vector.shape_cast %get3A_271 : vector<1x1x16xf32> to vector<16xf32>
          %lt3A_273 = arith.cmpf olt, %get3A_272, %get3A_174 : vector<16xf32>
          %jit3A_274 = arith.constant 1.000000e+00 : f32
          %jit3A_275 = arith.constant 0.000000e+00 : f32
          %broadcast_in_dim3A_276 = vector.broadcast %jit3A_274 : f32 to vector<16xf32>
          %broadcast_in_dim3A_277 = vector.broadcast %jit3A_275 : f32 to vector<16xf32>
          %select_n3A_278 = arith.select %lt3A_273, %broadcast_in_dim3A_276, %broadcast_in_dim3A_277 : vector<16xi1>, vector<16xf32>
          %add3A_279 = arith.addf %scan3A_216, %select_n3A_278 : vector<16xf32>
          %add3A_280 = arith.constant 64 : i32
          %add3A_281 = arith.addi %mul3A_222, %add3A_280 : i32
          %get3A_282 = arith.constant 1 : i32
          %get3A_283 = arith.index_cast %get3A_282 : i32 to index
          %get3A_284 = arith.index_cast %scan3A_171 : i32 to index
          %get3A_285 = arith.index_cast %add3A_281 : i32 to index
          %get3A_286 = tpu.vector_load %arg5[%get3A_283, %get3A_284, %get3A_285] {strides = array<i32>} : memref<2x16x2560xf32, #tpu.memory_space<vmem>>, vector<1x1x16xf32>,
          %get3A_287 = vector.shape_cast %get3A_286 : vector<1x1x16xf32> to vector<16xf32>
          %lt3A_288 = arith.cmpf olt, %get3A_287, %get3A_174 : vector<16xf32>
          %jit3A_289 = arith.constant 1.000000e+00 : f32
          %jit3A_290 = arith.constant 0.000000e+00 : f32
          %broadcast_in_dim3A_291 = vector.broadcast %jit3A_289 : f32 to vector<16xf32>
          %broadcast_in_dim3A_292 = vector.broadcast %jit3A_290 : f32 to vector<16xf32>
          %select_n3A_293 = arith.select %lt3A_288, %broadcast_in_dim3A_291, %broadcast_in_dim3A_292 : vector<16xi1>, vector<16xf32>
          %add3A_294 = arith.addf %scan3A_217, %select_n3A_293 : vector<16xf32>
          %add3A_295 = arith.constant 80 : i32
          %add3A_296 = arith.addi %mul3A_222, %add3A_295 : i32
          %get3A_297 = arith.constant 1 : i32
          %get3A_298 = arith.index_cast %get3A_297 : i32 to index
          %get3A_299 = arith.index_cast %scan3A_171 : i32 to index
          %get3A_300 = arith.index_cast %add3A_296 : i32 to index
          %get3A_301 = tpu.vector_load %arg5[%get3A_298, %get3A_299, %get3A_300] {strides = array<i32>} : memref<2x16x2560xf32, #tpu.memory_space<vmem>>, vector<1x1x16xf32>,
          %get3A_302 = vector.shape_cast %get3A_301 : vector<1x1x16xf32> to vector<16xf32>
          %lt3A_303 = arith.cmpf olt, %get3A_302, %get3A_174 : vector<16xf32>
          %jit3A_304 = arith.constant 1.000000e+00 : f32
          %jit3A_305 = arith.constant 0.000000e+00 : f32
          %broadcast_in_dim3A_306 = vector.broadcast %jit3A_304 : f32 to vector<16xf32>
          %broadcast_in_dim3A_307 = vector.broadcast %jit3A_305 : f32 to vector<16xf32>
          %select_n3A_308 = arith.select %lt3A_303, %broadcast_in_dim3A_306, %broadcast_in_dim3A_307 : vector<16xi1>, vector<16xf32>
          %add3A_309 = arith.addf %scan3A_218, %select_n3A_308 : vector<16xf32>
          %add3A_310 = arith.constant 96 : i32
          %add3A_311 = arith.addi %mul3A_222, %add3A_310 : i32
          %get3A_312 = arith.constant 1 : i32
          %get3A_313 = arith.index_cast %get3A_312 : i32 to index
          %get3A_314 = arith.index_cast %scan3A_171 : i32 to index
          %get3A_315 = arith.index_cast %add3A_311 : i32 to index
          %get3A_316 = tpu.vector_load %arg5[%get3A_313, %get3A_314, %get3A_315] {strides = array<i32>} : memref<2x16x2560xf32, #tpu.memory_space<vmem>>, vector<1x1x16xf32>,
          %get3A_317 = vector.shape_cast %get3A_316 : vector<1x1x16xf32> to vector<16xf32>
          %lt3A_318 = arith.cmpf olt, %get3A_317, %get3A_174 : vector<16xf32>
          %jit3A_319 = arith.constant 1.000000e+00 : f32
          %jit3A_320 = arith.constant 0.000000e+00 : f32
          %broadcast_in_dim3A_321 = vector.broadcast %jit3A_319 : f32 to vector<16xf32>
          %broadcast_in_dim3A_322 = vector.broadcast %jit3A_320 : f32 to vector<16xf32>
          %select_n3A_323 = arith.select %lt3A_318, %broadcast_in_dim3A_321, %broadcast_in_dim3A_322 : vector<16xi1>, vector<16xf32>
          %add3A_324 = arith.addf %scan3A_219, %select_n3A_323 : vector<16xf32>
          %add3A_325 = arith.constant 112 : i32
          %add3A_326 = arith.addi %mul3A_222, %add3A_325 : i32
          %get3A_327 = arith.constant 1 : i32
          %get3A_328 = arith.index_cast %get3A_327 : i32 to index
          %get3A_329 = arith.index_cast %scan3A_171 : i32 to index
          %get3A_330 = arith.index_cast %add3A_326 : i32 to index
          %get3A_331 = tpu.vector_load %arg5[%get3A_328, %get3A_329, %get3A_330] {strides = array<i32>} : memref<2x16x2560xf32, #tpu.memory_space<vmem>>, vector<1x1x16xf32>,
          %get3A_332 = vector.shape_cast %get3A_331 : vector<1x1x16xf32> to vector<16xf32>
          %lt3A_333 = arith.cmpf olt, %get3A_332, %get3A_174 : vector<16xf32>
          %jit3A_334 = arith.constant 1.000000e+00 : f32
          %jit3A_335 = arith.constant 0.000000e+00 : f32
          %broadcast_in_dim3A_336 = vector.broadcast %jit3A_334 : f32 to vector<16xf32>
          %broadcast_in_dim3A_337 = vector.broadcast %jit3A_335 : f32 to vector<16xf32>
          %select_n3A_338 = arith.select %lt3A_333, %broadcast_in_dim3A_336, %broadcast_in_dim3A_337 : vector<16xi1>, vector<16xf32>
          %add3A_339 = arith.addf %scan3A_220, %select_n3A_338 : vector<16xf32>
          scf.yield %add3A_234, %add3A_249, %add3A_264, %add3A_279, %add3A_294, %add3A_309, %add3A_324, %add3A_339 : vector<16xf32>, vector<16xf32>, vector<16xf32>, vector<16xf32>, vector<16xf32>, vector<16xf32>, vector<16xf32>, vector<16xf32>
        }
        %scan3A_195 = arith.constant 20 : i32
        %add3A_196 = arith.addf %scan3A_194#0, %scan3A_194#1 : vector<16xf32>
        %add3A_197 = arith.addf %add3A_196, %scan3A_194#2 : vector<16xf32>
        %add3A_198 = arith.addf %add3A_197, %scan3A_194#3 : vector<16xf32>
        %add3A_199 = arith.addf %add3A_198, %scan3A_194#4 : vector<16xf32>
        %add3A_200 = arith.addf %add3A_199, %scan3A_194#5 : vector<16xf32>
        %add3A_201 = arith.addf %add3A_200, %scan3A_194#6 : vector<16xf32>
        %add3A_202 = arith.addf %add3A_201, %scan3A_194#7 : vector<16xf32>
        %get3A_203 = arith.index_cast %scan3A_171 : i32 to index
        %get3A_204 = arith.constant 0 : index
        %get3A_205 = tpu.vector_load %arg7[%get3A_203, %get3A_204] {strides = array<i32>} : memref<16x16xf32, #tpu.memory_space<vmem>>, vector<1x16xf32>,
        %get3A_206 = vector.shape_cast %get3A_205 : vector<1x16xf32> to vector<16xf32>
        %add3A_207 = arith.addf %get3A_206, %add3A_202 : vector<16xf32>
        %swap3A = arith.index_cast %scan3A_171 : i32 to index
        %swap3A_208 = arith.constant 0 : index
        %swap3A_209 = tpu.vector_load %arg7[%swap3A, %swap3A_208] {strides = array<i32>} : memref<16x16xf32, #tpu.memory_space<vmem>>, vector<1x16xf32>,
        %swap3A_210 = vector.shape_cast %swap3A_209 : vector<1x16xf32> to vector<16xf32>
        %swap3A_211 = vector.shape_cast %add3A_207 : vector<16xf32> to vector<1x16xf32>
        tpu.vector_store %arg7[%swap3A, %swap3A_208], %swap3A_211 {strides = array<i32>} : memref<16x16xf32, #tpu.memory_space<vmem>>, vector<1x16xf32>,
      }
      %scan3A_149 = arith.constant 16 : i32
      %mul3A_150 = arith.constant 2 : i32
      %mul3A_151 = arith.muli %mul3A_150, %scan3A_86 : i32
      %add3A_152 = arith.constant 3 : i32
      %add3A_153 = arith.addi %mul3A_151, %add3A_152 : i32
      %mul3A_154 = arith.constant 2560 : i32
      %mul3A_155 = arith.muli %add3A_153, %mul3A_154 : i32
      %add3A_156 = arith.addi %multiple_of3A, %mul3A_155 : i32
      %multiple_of3A_157 = tpu.assume_multiple %add3A_156, 128 : i32
      %dma_start3A_158 = arith.constant 1 : i32
      %dma_start3A_159 = arith.constant 0 : i32
      %dma_start3A_160 = arith.constant 0 : i32
      %dma_start3A_161 = tpu.memref_slice %arg5[%dma_start3A_158, %dma_start3A_159, %dma_start3A_160] : memref<2x16x2560xf32, #tpu.memory_space<vmem>> -> memref<1x16x2560xf32, #tpu.memory_space<vmem>>
      %dma_start3A_162 = tpu.memref_squeeze %dma_start3A_161 : memref<1x16x2560xf32, #tpu.memory_space<vmem>> -> memref<16x2560xf32, #tpu.memory_space<vmem>>
      %dma_start3A_163 = arith.constant 0 : i32
      %dma_start3A_164 = tpu.memref_slice %arg3[%dma_start3A_163, %multiple_of3A_157] : memref<16x1000000xf32, #tpu.memory_space<hbm>> -> memref<16x2560xf32, #tpu.memory_space<hbm>>
      %dma_start3A_165 = arith.constant 0 : i32
      %dma_start3A_166 = arith.constant 0 : i32
      %dma_start3A_167 = tpu.memref_slice %arg5[%dma_start3A_158, %dma_start3A_165, %dma_start3A_166] : memref<2x16x2560xf32, #tpu.memory_space<vmem>> -> memref<1x16x2560xf32, #tpu.memory_space<vmem>>
      %dma_start3A_168 = tpu.memref_squeeze %dma_start3A_167 : memref<1x16x2560xf32, #tpu.memory_space<vmem>> -> memref<16x2560xf32, #tpu.memory_space<vmem>>
      %dma_start3A_169 = arith.constant 0 : i32
      %dma_start3A_170 = tpu.memref_slice %arg3[%dma_start3A_169, %multiple_of3A_157] : memref<16x1000000xf32, #tpu.memory_space<hbm>> -> memref<16x2560xf32, #tpu.memory_space<hbm>>
      tpu.enqueue_dma source(%dma_start3A_170 : memref<16x2560xf32, #tpu.memory_space<hbm>>) target(%dma_start3A_168 : memref<16x2560xf32, #tpu.memory_space<vmem>>) target_semaphore(%arg9 : memref<!tpu.dma_semaphore, #tpu.memory_space<semaphore_mem>>)
    }
    %scan3A_44 = arith.constant 2 : i32
    %dma_wait3A = arith.constant 0 : i32
    %dma_wait3A_45 = arith.constant 0 : i32
    %dma_wait3A_46 = arith.constant 0 : i32
    %dma_wait3A_47 = tpu.memref_slice %arg5[%dma_wait3A, %dma_wait3A_45, %dma_wait3A_46] : memref<2x16x2560xf32, #tpu.memory_space<vmem>> -> memref<1x16x2560xf32, #tpu.memory_space<vmem>>
    %dma_wait3A_48 = tpu.memref_squeeze %dma_wait3A_47 : memref<1x16x2560xf32, #tpu.memory_space<vmem>> -> memref<16x2560xf32, #tpu.memory_space<vmem>>
    %dma_wait3A_49 = arith.constant 0 : i32
    %dma_wait3A_50 = arith.constant 0 : i32
    %dma_wait3A_51 = tpu.memref_slice %arg3[%dma_wait3A_49, %dma_wait3A_50] : memref<16x1000000xf32, #tpu.memory_space<hbm>> -> memref<16x2560xf32, #tpu.memory_space<hbm>>
    %dma_wait3A_52 = arith.constant 0 : i32
    %dma_wait3A_53 = arith.constant 0 : i32
    %dma_wait3A_54 = tpu.memref_slice %arg5[%dma_wait3A, %dma_wait3A_52, %dma_wait3A_53] : memref<2x16x2560xf32, #tpu.memory_space<vmem>> -> memref<1x16x2560xf32, #tpu.memory_space<vmem>>
    %dma_wait3A_55 = tpu.memref_squeeze %dma_wait3A_54 : memref<1x16x2560xf32, #tpu.memory_space<vmem>> -> memref<16x2560xf32, #tpu.memory_space<vmem>>
    %dma_wait3A_56 = arith.constant 0 : i32
    %dma_wait3A_57 = arith.constant 0 : i32
    %dma_wait3A_58 = tpu.memref_slice %arg3[%dma_wait3A_56, %dma_wait3A_57] : memref<16x1000000xf32, #tpu.memory_space<hbm>> -> memref<16x2560xf32, #tpu.memory_space<hbm>>
    tpu.wait_dma2 semaphore(%arg8 : memref<!tpu.dma_semaphore, #tpu.memory_space<semaphore_mem>>) src(%dma_wait3A_58 : memref<16x2560xf32, #tpu.memory_space<hbm>>) dst(%dma_wait3A_55 : memref<16x2560xf32, #tpu.memory_space<vmem>>)
    %scan3A_59 = arith.constant 0 : i32
    %scan3A_60 = arith.constant 0 : i32
    %scan3A_61 = arith.constant 16 : i32
    %scan3A_62 = arith.addi %scan3A_60, %scan3A_61 : i32
    %scan3A_63 = arith.constant 1 : i32
    scf.for %scan3A_86 = %scan3A_60 to %scan3A_62 step %scan3A_63  : i32 {
      %get3A = arith.index_cast %scan3A_86 : i32 to index
      %get3A_87 = arith.constant 0 : index
      %get3A_88 = tpu.vector_load %arg6[%get3A, %get3A_87] {strides = array<i32>} : memref<16x16xf32, #tpu.memory_space<vmem>>, vector<1x16xf32>,
      %get3A_89 = vector.shape_cast %get3A_88 : vector<1x16xf32> to vector<16xf32>
      %broadcast_in_dim3A = arith.constant 0.000000e+00 : f32
      %broadcast_in_dim3A_90 = vector.broadcast %broadcast_in_dim3A : f32 to vector<16xf32>
      %broadcast_in_dim3A_91 = arith.constant 0.000000e+00 : f32
      %broadcast_in_dim3A_92 = vector.broadcast %broadcast_in_dim3A_91 : f32 to vector<16xf32>
      %broadcast_in_dim3A_93 = arith.constant 0.000000e+00 : f32
      %broadcast_in_dim3A_94 = vector.broadcast %broadcast_in_dim3A_93 : f32 to vector<16xf32>
      %broadcast_in_dim3A_95 = arith.constant 0.000000e+00 : f32
      %broadcast_in_dim3A_96 = vector.broadcast %broadcast_in_dim3A_95 : f32 to vector<16xf32>
      %broadcast_in_dim3A_97 = arith.constant 0.000000e+00 : f32
      %broadcast_in_dim3A_98 = vector.broadcast %broadcast_in_dim3A_97 : f32 to vector<16xf32>
      %broadcast_in_dim3A_99 = arith.constant 0.000000e+00 : f32
      %broadcast_in_dim3A_100 = vector.broadcast %broadcast_in_dim3A_99 : f32 to vector<16xf32>
      %broadcast_in_dim3A_101 = arith.constant 0.000000e+00 : f32
      %broadcast_in_dim3A_102 = vector.broadcast %broadcast_in_dim3A_101 : f32 to vector<16xf32>
      %broadcast_in_dim3A_103 = arith.constant 0.000000e+00 : f32
      %broadcast_in_dim3A_104 = vector.broadcast %broadcast_in_dim3A_103 : f32 to vector<16xf32>
      %scan3A_105 = arith.constant 0 : i32
      %scan3A_106 = arith.constant 20 : i32
      %scan3A_107 = arith.addi %scan3A_105, %scan3A_106 : i32
      %scan3A_108 = arith.constant 1 : i32
      %scan3A_109:8 = scf.for %scan3A_127 = %scan3A_105 to %scan3A_107 step %scan3A_108 iter_args(%scan3A_128 = %broadcast_in_dim3A_90, %scan3A_129 = %broadcast_in_dim3A_92, %scan3A_130 = %broadcast_in_dim3A_94, %scan3A_131 = %broadcast_in_dim3A_96, %scan3A_132 = %broadcast_in_dim3A_98, %scan3A_133 = %broadcast_in_dim3A_100, %scan3A_134 = %broadcast_in_dim3A_102, %scan3A_135 = %broadcast_in_dim3A_104) -> (vector<16xf32>, vector<16xf32>, vector<16xf32>, vector<16xf32>, vector<16xf32>, vector<16xf32>, vector<16xf32>, vector<16xf32>)  : i32 {
        %mul3A_136 = arith.constant 128 : i32
        %mul3A_137 = arith.muli %scan3A_127, %mul3A_136 : i32
        %add3A_138 = arith.constant 0 : i32
        %add3A_139 = arith.addi %mul3A_137, %add3A_138 : i32
        %get3A_140 = arith.constant 0 : i32
        %get3A_141 = arith.index_cast %get3A_140 : i32 to index
        %get3A_142 = arith.index_cast %scan3A_86 : i32 to index
        %get3A_143 = arith.index_cast %add3A_139 : i32 to index
        %get3A_144 = tpu.vector_load %arg5[%get3A_141, %get3A_142, %get3A_143] {strides = array<i32>} : memref<2x16x2560xf32, #tpu.memory_space<vmem>>, vector<1x1x16xf32>,
        %get3A_145 = vector.shape_cast %get3A_144 : vector<1x1x16xf32> to vector<16xf32>
        %lt3A = arith.cmpf olt, %get3A_145, %get3A_89 : vector<16xf32>
        %jit3A = arith.constant 1.000000e+00 : f32
        %jit3A_146 = arith.constant 0.000000e+00 : f32
        %broadcast_in_dim3A_147 = vector.broadcast %jit3A : f32 to vector<16xf32>
        %broadcast_in_dim3A_148 = vector.broadcast %jit3A_146 : f32 to vector<16xf32>
        %select_n3A = arith.select %lt3A, %broadcast_in_dim3A_147, %broadcast_in_dim3A_148 : vector<16xi1>, vector<16xf32>
        %add3A_149 = arith.addf %scan3A_128, %select_n3A : vector<16xf32>
        %add3A_150 = arith.constant 16 : i32
        %add3A_151 = arith.addi %mul3A_137, %add3A_150 : i32
        %get3A_152 = arith.constant 0 : i32
        %get3A_153 = arith.index_cast %get3A_152 : i32 to index
        %get3A_154 = arith.index_cast %scan3A_86 : i32 to index
        %get3A_155 = arith.index_cast %add3A_151 : i32 to index
        %get3A_156 = tpu.vector_load %arg5[%get3A_153, %get3A_154, %get3A_155] {strides = array<i32>} : memref<2x16x2560xf32, #tpu.memory_space<vmem>>, vector<1x1x16xf32>,
        %get3A_157 = vector.shape_cast %get3A_156 : vector<1x1x16xf32> to vector<16xf32>
        %lt3A_158 = arith.cmpf olt, %get3A_157, %get3A_89 : vector<16xf32>
        %jit3A_159 = arith.constant 1.000000e+00 : f32
        %jit3A_160 = arith.constant 0.000000e+00 : f32
        %broadcast_in_dim3A_161 = vector.broadcast %jit3A_159 : f32 to vector<16xf32>
        %broadcast_in_dim3A_162 = vector.broadcast %jit3A_160 : f32 to vector<16xf32>
        %select_n3A_163 = arith.select %lt3A_158, %broadcast_in_dim3A_161, %broadcast_in_dim3A_162 : vector<16xi1>, vector<16xf32>
        %add3A_164 = arith.addf %scan3A_129, %select_n3A_163 : vector<16xf32>
        %add3A_165 = arith.constant 32 : i32
        %add3A_166 = arith.addi %mul3A_137, %add3A_165 : i32
        %get3A_167 = arith.constant 0 : i32
        %get3A_168 = arith.index_cast %get3A_167 : i32 to index
        %get3A_169 = arith.index_cast %scan3A_86 : i32 to index
        %get3A_170 = arith.index_cast %add3A_166 : i32 to index
        %get3A_171 = tpu.vector_load %arg5[%get3A_168, %get3A_169, %get3A_170] {strides = array<i32>} : memref<2x16x2560xf32, #tpu.memory_space<vmem>>, vector<1x1x16xf32>,
        %get3A_172 = vector.shape_cast %get3A_171 : vector<1x1x16xf32> to vector<16xf32>
        %lt3A_173 = arith.cmpf olt, %get3A_172, %get3A_89 : vector<16xf32>
        %jit3A_174 = arith.constant 1.000000e+00 : f32
        %jit3A_175 = arith.constant 0.000000e+00 : f32
        %broadcast_in_dim3A_176 = vector.broadcast %jit3A_174 : f32 to vector<16xf32>
        %broadcast_in_dim3A_177 = vector.broadcast %jit3A_175 : f32 to vector<16xf32>
        %select_n3A_178 = arith.select %lt3A_173, %broadcast_in_dim3A_176, %broadcast_in_dim3A_177 : vector<16xi1>, vector<16xf32>
        %add3A_179 = arith.addf %scan3A_130, %select_n3A_178 : vector<16xf32>
        %add3A_180 = arith.constant 48 : i32
        %add3A_181 = arith.addi %mul3A_137, %add3A_180 : i32
        %get3A_182 = arith.constant 0 : i32
        %get3A_183 = arith.index_cast %get3A_182 : i32 to index
        %get3A_184 = arith.index_cast %scan3A_86 : i32 to index
        %get3A_185 = arith.index_cast %add3A_181 : i32 to index
        %get3A_186 = tpu.vector_load %arg5[%get3A_183, %get3A_184, %get3A_185] {strides = array<i32>} : memref<2x16x2560xf32, #tpu.memory_space<vmem>>, vector<1x1x16xf32>,
        %get3A_187 = vector.shape_cast %get3A_186 : vector<1x1x16xf32> to vector<16xf32>
        %lt3A_188 = arith.cmpf olt, %get3A_187, %get3A_89 : vector<16xf32>
        %jit3A_189 = arith.constant 1.000000e+00 : f32
        %jit3A_190 = arith.constant 0.000000e+00 : f32
        %broadcast_in_dim3A_191 = vector.broadcast %jit3A_189 : f32 to vector<16xf32>
        %broadcast_in_dim3A_192 = vector.broadcast %jit3A_190 : f32 to vector<16xf32>
        %select_n3A_193 = arith.select %lt3A_188, %broadcast_in_dim3A_191, %broadcast_in_dim3A_192 : vector<16xi1>, vector<16xf32>
        %add3A_194 = arith.addf %scan3A_131, %select_n3A_193 : vector<16xf32>
        %add3A_195 = arith.constant 64 : i32
        %add3A_196 = arith.addi %mul3A_137, %add3A_195 : i32
        %get3A_197 = arith.constant 0 : i32
        %get3A_198 = arith.index_cast %get3A_197 : i32 to index
        %get3A_199 = arith.index_cast %scan3A_86 : i32 to index
        %get3A_200 = arith.index_cast %add3A_196 : i32 to index
        %get3A_201 = tpu.vector_load %arg5[%get3A_198, %get3A_199, %get3A_200] {strides = array<i32>} : memref<2x16x2560xf32, #tpu.memory_space<vmem>>, vector<1x1x16xf32>,
        %get3A_202 = vector.shape_cast %get3A_201 : vector<1x1x16xf32> to vector<16xf32>
        %lt3A_203 = arith.cmpf olt, %get3A_202, %get3A_89 : vector<16xf32>
        %jit3A_204 = arith.constant 1.000000e+00 : f32
        %jit3A_205 = arith.constant 0.000000e+00 : f32
        %broadcast_in_dim3A_206 = vector.broadcast %jit3A_204 : f32 to vector<16xf32>
        %broadcast_in_dim3A_207 = vector.broadcast %jit3A_205 : f32 to vector<16xf32>
        %select_n3A_208 = arith.select %lt3A_203, %broadcast_in_dim3A_206, %broadcast_in_dim3A_207 : vector<16xi1>, vector<16xf32>
        %add3A_209 = arith.addf %scan3A_132, %select_n3A_208 : vector<16xf32>
        %add3A_210 = arith.constant 80 : i32
        %add3A_211 = arith.addi %mul3A_137, %add3A_210 : i32
        %get3A_212 = arith.constant 0 : i32
        %get3A_213 = arith.index_cast %get3A_212 : i32 to index
        %get3A_214 = arith.index_cast %scan3A_86 : i32 to index
        %get3A_215 = arith.index_cast %add3A_211 : i32 to index
        %get3A_216 = tpu.vector_load %arg5[%get3A_213, %get3A_214, %get3A_215] {strides = array<i32>} : memref<2x16x2560xf32, #tpu.memory_space<vmem>>, vector<1x1x16xf32>,
        %get3A_217 = vector.shape_cast %get3A_216 : vector<1x1x16xf32> to vector<16xf32>
        %lt3A_218 = arith.cmpf olt, %get3A_217, %get3A_89 : vector<16xf32>
        %jit3A_219 = arith.constant 1.000000e+00 : f32
        %jit3A_220 = arith.constant 0.000000e+00 : f32
        %broadcast_in_dim3A_221 = vector.broadcast %jit3A_219 : f32 to vector<16xf32>
        %broadcast_in_dim3A_222 = vector.broadcast %jit3A_220 : f32 to vector<16xf32>
        %select_n3A_223 = arith.select %lt3A_218, %broadcast_in_dim3A_221, %broadcast_in_dim3A_222 : vector<16xi1>, vector<16xf32>
        %add3A_224 = arith.addf %scan3A_133, %select_n3A_223 : vector<16xf32>
        %add3A_225 = arith.constant 96 : i32
        %add3A_226 = arith.addi %mul3A_137, %add3A_225 : i32
        %get3A_227 = arith.constant 0 : i32
        %get3A_228 = arith.index_cast %get3A_227 : i32 to index
        %get3A_229 = arith.index_cast %scan3A_86 : i32 to index
        %get3A_230 = arith.index_cast %add3A_226 : i32 to index
        %get3A_231 = tpu.vector_load %arg5[%get3A_228, %get3A_229, %get3A_230] {strides = array<i32>} : memref<2x16x2560xf32, #tpu.memory_space<vmem>>, vector<1x1x16xf32>,
        %get3A_232 = vector.shape_cast %get3A_231 : vector<1x1x16xf32> to vector<16xf32>
        %lt3A_233 = arith.cmpf olt, %get3A_232, %get3A_89 : vector<16xf32>
        %jit3A_234 = arith.constant 1.000000e+00 : f32
        %jit3A_235 = arith.constant 0.000000e+00 : f32
        %broadcast_in_dim3A_236 = vector.broadcast %jit3A_234 : f32 to vector<16xf32>
        %broadcast_in_dim3A_237 = vector.broadcast %jit3A_235 : f32 to vector<16xf32>
        %select_n3A_238 = arith.select %lt3A_233, %broadcast_in_dim3A_236, %broadcast_in_dim3A_237 : vector<16xi1>, vector<16xf32>
        %add3A_239 = arith.addf %scan3A_134, %select_n3A_238 : vector<16xf32>
        %add3A_240 = arith.constant 112 : i32
        %add3A_241 = arith.addi %mul3A_137, %add3A_240 : i32
        %get3A_242 = arith.constant 0 : i32
        %get3A_243 = arith.index_cast %get3A_242 : i32 to index
        %get3A_244 = arith.index_cast %scan3A_86 : i32 to index
        %get3A_245 = arith.index_cast %add3A_241 : i32 to index
        %get3A_246 = tpu.vector_load %arg5[%get3A_243, %get3A_244, %get3A_245] {strides = array<i32>} : memref<2x16x2560xf32, #tpu.memory_space<vmem>>, vector<1x1x16xf32>,
        %get3A_247 = vector.shape_cast %get3A_246 : vector<1x1x16xf32> to vector<16xf32>
        %lt3A_248 = arith.cmpf olt, %get3A_247, %get3A_89 : vector<16xf32>
        %jit3A_249 = arith.constant 1.000000e+00 : f32
        %jit3A_250 = arith.constant 0.000000e+00 : f32
        %broadcast_in_dim3A_251 = vector.broadcast %jit3A_249 : f32 to vector<16xf32>
        %broadcast_in_dim3A_252 = vector.broadcast %jit3A_250 : f32 to vector<16xf32>
        %select_n3A_253 = arith.select %lt3A_248, %broadcast_in_dim3A_251, %broadcast_in_dim3A_252 : vector<16xi1>, vector<16xf32>
        %add3A_254 = arith.addf %scan3A_135, %select_n3A_253 : vector<16xf32>
        scf.yield %add3A_149, %add3A_164, %add3A_179, %add3A_194, %add3A_209, %add3A_224, %add3A_239, %add3A_254 : vector<16xf32>, vector<16xf32>, vector<16xf32>, vector<16xf32>, vector<16xf32>, vector<16xf32>, vector<16xf32>, vector<16xf32>
      }
      %scan3A_110 = arith.constant 20 : i32
      %add3A_111 = arith.addf %scan3A_109#0, %scan3A_109#1 : vector<16xf32>
      %add3A_112 = arith.addf %add3A_111, %scan3A_109#2 : vector<16xf32>
      %add3A_113 = arith.addf %add3A_112, %scan3A_109#3 : vector<16xf32>
      %add3A_114 = arith.addf %add3A_113, %scan3A_109#4 : vector<16xf32>
      %add3A_115 = arith.addf %add3A_114, %scan3A_109#5 : vector<16xf32>
      %add3A_116 = arith.addf %add3A_115, %scan3A_109#6 : vector<16xf32>
      %add3A_117 = arith.addf %add3A_116, %scan3A_109#7 : vector<16xf32>
      %get3A_118 = arith.index_cast %scan3A_86 : i32 to index
      %get3A_119 = arith.constant 0 : index
      %get3A_120 = tpu.vector_load %arg7[%get3A_118, %get3A_119] {strides = array<i32>} : memref<16x16xf32, #tpu.memory_space<vmem>>, vector<1x16xf32>,
      %get3A_121 = vector.shape_cast %get3A_120 : vector<1x16xf32> to vector<16xf32>
      %add3A_122 = arith.addf %get3A_121, %add3A_117 : vector<16xf32>
      %swap3A = arith.index_cast %scan3A_86 : i32 to index
      %swap3A_123 = arith.constant 0 : index
      %swap3A_124 = tpu.vector_load %arg7[%swap3A, %swap3A_123] {strides = array<i32>} : memref<16x16xf32, #tpu.memory_space<vmem>>, vector<1x16xf32>,
      %swap3A_125 = vector.shape_cast %swap3A_124 : vector<1x16xf32> to vector<16xf32>
      %swap3A_126 = vector.shape_cast %add3A_122 : vector<16xf32> to vector<1x16xf32>
      tpu.vector_store %arg7[%swap3A, %swap3A_123], %swap3A_126 {strides = array<i32>} : memref<16x16xf32, #tpu.memory_space<vmem>>, vector<1x16xf32>,
    }
    %scan3A_64 = arith.constant 16 : i32
    %dma_wait3A_65 = arith.constant 1 : i32
    %dma_wait3A_66 = arith.constant 0 : i32
    %dma_wait3A_67 = arith.constant 0 : i32
    %dma_wait3A_68 = tpu.memref_slice %arg5[%dma_wait3A_65, %dma_wait3A_66, %dma_wait3A_67] : memref<2x16x2560xf32, #tpu.memory_space<vmem>> -> memref<1x16x2560xf32, #tpu.memory_space<vmem>>
    %dma_wait3A_69 = tpu.memref_squeeze %dma_wait3A_68 : memref<1x16x2560xf32, #tpu.memory_space<vmem>> -> memref<16x2560xf32, #tpu.memory_space<vmem>>
    %dma_wait3A_70 = arith.constant 0 : i32
    %dma_wait3A_71 = arith.constant 0 : i32
    %dma_wait3A_72 = tpu.memref_slice %arg3[%dma_wait3A_70, %dma_wait3A_71] : memref<16x1000000xf32, #tpu.memory_space<hbm>> -> memref<16x2560xf32, #tpu.memory_space<hbm>>
    %dma_wait3A_73 = arith.constant 0 : i32
    %dma_wait3A_74 = arith.constant 0 : i32
    %dma_wait3A_75 = tpu.memref_slice %arg5[%dma_wait3A_65, %dma_wait3A_73, %dma_wait3A_74] : memref<2x16x2560xf32, #tpu.memory_space<vmem>> -> memref<1x16x2560xf32, #tpu.memory_space<vmem>>
    %dma_wait3A_76 = tpu.memref_squeeze %dma_wait3A_75 : memref<1x16x2560xf32, #tpu.memory_space<vmem>> -> memref<16x2560xf32, #tpu.memory_space<vmem>>
    %dma_wait3A_77 = arith.constant 0 : i32
    %dma_wait3A_78 = arith.constant 0 : i32
    %dma_wait3A_79 = tpu.memref_slice %arg3[%dma_wait3A_77, %dma_wait3A_78] : memref<16x1000000xf32, #tpu.memory_space<hbm>> -> memref<16x2560xf32, #tpu.memory_space<hbm>>
    tpu.wait_dma2 semaphore(%arg9 : memref<!tpu.dma_semaphore, #tpu.memory_space<semaphore_mem>>) src(%dma_wait3A_79 : memref<16x2560xf32, #tpu.memory_space<hbm>>) dst(%dma_wait3A_76 : memref<16x2560xf32, #tpu.memory_space<vmem>>)
    %scan3A_80 = arith.constant 0 : i32
    %scan3A_81 = arith.constant 0 : i32
    %scan3A_82 = arith.constant 16 : i32
    %scan3A_83 = arith.addi %scan3A_81, %scan3A_82 : i32
    %scan3A_84 = arith.constant 1 : i32
    scf.for %scan3A_86 = %scan3A_81 to %scan3A_83 step %scan3A_84  : i32 {
      %get3A = arith.index_cast %scan3A_86 : i32 to index
      %get3A_87 = arith.constant 0 : index
      %get3A_88 = tpu.vector_load %arg6[%get3A, %get3A_87] {strides = array<i32>} : memref<16x16xf32, #tpu.memory_space<vmem>>, vector<1x16xf32>,
      %get3A_89 = vector.shape_cast %get3A_88 : vector<1x16xf32> to vector<16xf32>
      %broadcast_in_dim3A = arith.constant 0.000000e+00 : f32
      %broadcast_in_dim3A_90 = vector.broadcast %broadcast_in_dim3A : f32 to vector<16xf32>
      %broadcast_in_dim3A_91 = arith.constant 0.000000e+00 : f32
      %broadcast_in_dim3A_92 = vector.broadcast %broadcast_in_dim3A_91 : f32 to vector<16xf32>
      %broadcast_in_dim3A_93 = arith.constant 0.000000e+00 : f32
      %broadcast_in_dim3A_94 = vector.broadcast %broadcast_in_dim3A_93 : f32 to vector<16xf32>
      %broadcast_in_dim3A_95 = arith.constant 0.000000e+00 : f32
      %broadcast_in_dim3A_96 = vector.broadcast %broadcast_in_dim3A_95 : f32 to vector<16xf32>
      %broadcast_in_dim3A_97 = arith.constant 0.000000e+00 : f32
      %broadcast_in_dim3A_98 = vector.broadcast %broadcast_in_dim3A_97 : f32 to vector<16xf32>
      %broadcast_in_dim3A_99 = arith.constant 0.000000e+00 : f32
      %broadcast_in_dim3A_100 = vector.broadcast %broadcast_in_dim3A_99 : f32 to vector<16xf32>
      %broadcast_in_dim3A_101 = arith.constant 0.000000e+00 : f32
      %broadcast_in_dim3A_102 = vector.broadcast %broadcast_in_dim3A_101 : f32 to vector<16xf32>
      %broadcast_in_dim3A_103 = arith.constant 0.000000e+00 : f32
      %broadcast_in_dim3A_104 = vector.broadcast %broadcast_in_dim3A_103 : f32 to vector<16xf32>
      %scan3A_105 = arith.constant 0 : i32
      %scan3A_106 = arith.constant 20 : i32
      %scan3A_107 = arith.addi %scan3A_105, %scan3A_106 : i32
      %scan3A_108 = arith.constant 1 : i32
      %scan3A_109:8 = scf.for %scan3A_127 = %scan3A_105 to %scan3A_107 step %scan3A_108 iter_args(%scan3A_128 = %broadcast_in_dim3A_90, %scan3A_129 = %broadcast_in_dim3A_92, %scan3A_130 = %broadcast_in_dim3A_94, %scan3A_131 = %broadcast_in_dim3A_96, %scan3A_132 = %broadcast_in_dim3A_98, %scan3A_133 = %broadcast_in_dim3A_100, %scan3A_134 = %broadcast_in_dim3A_102, %scan3A_135 = %broadcast_in_dim3A_104) -> (vector<16xf32>, vector<16xf32>, vector<16xf32>, vector<16xf32>, vector<16xf32>, vector<16xf32>, vector<16xf32>, vector<16xf32>)  : i32 {
        %mul3A_136 = arith.constant 128 : i32
        %mul3A_137 = arith.muli %scan3A_127, %mul3A_136 : i32
        %add3A_138 = arith.constant 0 : i32
        %add3A_139 = arith.addi %mul3A_137, %add3A_138 : i32
        %get3A_140 = arith.constant 1 : i32
        %get3A_141 = arith.index_cast %get3A_140 : i32 to index
        %get3A_142 = arith.index_cast %scan3A_86 : i32 to index
        %get3A_143 = arith.index_cast %add3A_139 : i32 to index
        %get3A_144 = tpu.vector_load %arg5[%get3A_141, %get3A_142, %get3A_143] {strides = array<i32>} : memref<2x16x2560xf32, #tpu.memory_space<vmem>>, vector<1x1x16xf32>,
        %get3A_145 = vector.shape_cast %get3A_144 : vector<1x1x16xf32> to vector<16xf32>
        %lt3A = arith.cmpf olt, %get3A_145, %get3A_89 : vector<16xf32>
        %jit3A = arith.constant 1.000000e+00 : f32
        %jit3A_146 = arith.constant 0.000000e+00 : f32
        %broadcast_in_dim3A_147 = vector.broadcast %jit3A : f32 to vector<16xf32>
        %broadcast_in_dim3A_148 = vector.broadcast %jit3A_146 : f32 to vector<16xf32>
        %select_n3A = arith.select %lt3A, %broadcast_in_dim3A_147, %broadcast_in_dim3A_148 : vector<16xi1>, vector<16xf32>
        %add3A_149 = arith.addf %scan3A_128, %select_n3A : vector<16xf32>
        %add3A_150 = arith.constant 16 : i32
        %add3A_151 = arith.addi %mul3A_137, %add3A_150 : i32
        %get3A_152 = arith.constant 1 : i32
        %get3A_153 = arith.index_cast %get3A_152 : i32 to index
        %get3A_154 = arith.index_cast %scan3A_86 : i32 to index
        %get3A_155 = arith.index_cast %add3A_151 : i32 to index
        %get3A_156 = tpu.vector_load %arg5[%get3A_153, %get3A_154, %get3A_155] {strides = array<i32>} : memref<2x16x2560xf32, #tpu.memory_space<vmem>>, vector<1x1x16xf32>,
        %get3A_157 = vector.shape_cast %get3A_156 : vector<1x1x16xf32> to vector<16xf32>
        %lt3A_158 = arith.cmpf olt, %get3A_157, %get3A_89 : vector<16xf32>
        %jit3A_159 = arith.constant 1.000000e+00 : f32
        %jit3A_160 = arith.constant 0.000000e+00 : f32
        %broadcast_in_dim3A_161 = vector.broadcast %jit3A_159 : f32 to vector<16xf32>
        %broadcast_in_dim3A_162 = vector.broadcast %jit3A_160 : f32 to vector<16xf32>
        %select_n3A_163 = arith.select %lt3A_158, %broadcast_in_dim3A_161, %broadcast_in_dim3A_162 : vector<16xi1>, vector<16xf32>
        %add3A_164 = arith.addf %scan3A_129, %select_n3A_163 : vector<16xf32>
        %add3A_165 = arith.constant 32 : i32
        %add3A_166 = arith.addi %mul3A_137, %add3A_165 : i32
        %get3A_167 = arith.constant 1 : i32
        %get3A_168 = arith.index_cast %get3A_167 : i32 to index
        %get3A_169 = arith.index_cast %scan3A_86 : i32 to index
        %get3A_170 = arith.index_cast %add3A_166 : i32 to index
        %get3A_171 = tpu.vector_load %arg5[%get3A_168, %get3A_169, %get3A_170] {strides = array<i32>} : memref<2x16x2560xf32, #tpu.memory_space<vmem>>, vector<1x1x16xf32>,
        %get3A_172 = vector.shape_cast %get3A_171 : vector<1x1x16xf32> to vector<16xf32>
        %lt3A_173 = arith.cmpf olt, %get3A_172, %get3A_89 : vector<16xf32>
        %jit3A_174 = arith.constant 1.000000e+00 : f32
        %jit3A_175 = arith.constant 0.000000e+00 : f32
        %broadcast_in_dim3A_176 = vector.broadcast %jit3A_174 : f32 to vector<16xf32>
        %broadcast_in_dim3A_177 = vector.broadcast %jit3A_175 : f32 to vector<16xf32>
        %select_n3A_178 = arith.select %lt3A_173, %broadcast_in_dim3A_176, %broadcast_in_dim3A_177 : vector<16xi1>, vector<16xf32>
        %add3A_179 = arith.addf %scan3A_130, %select_n3A_178 : vector<16xf32>
        %add3A_180 = arith.constant 48 : i32
        %add3A_181 = arith.addi %mul3A_137, %add3A_180 : i32
        %get3A_182 = arith.constant 1 : i32
        %get3A_183 = arith.index_cast %get3A_182 : i32 to index
        %get3A_184 = arith.index_cast %scan3A_86 : i32 to index
        %get3A_185 = arith.index_cast %add3A_181 : i32 to index
        %get3A_186 = tpu.vector_load %arg5[%get3A_183, %get3A_184, %get3A_185] {strides = array<i32>} : memref<2x16x2560xf32, #tpu.memory_space<vmem>>, vector<1x1x16xf32>,
        %get3A_187 = vector.shape_cast %get3A_186 : vector<1x1x16xf32> to vector<16xf32>
        %lt3A_188 = arith.cmpf olt, %get3A_187, %get3A_89 : vector<16xf32>
        %jit3A_189 = arith.constant 1.000000e+00 : f32
        %jit3A_190 = arith.constant 0.000000e+00 : f32
        %broadcast_in_dim3A_191 = vector.broadcast %jit3A_189 : f32 to vector<16xf32>
        %broadcast_in_dim3A_192 = vector.broadcast %jit3A_190 : f32 to vector<16xf32>
        %select_n3A_193 = arith.select %lt3A_188, %broadcast_in_dim3A_191, %broadcast_in_dim3A_192 : vector<16xi1>, vector<16xf32>
        %add3A_194 = arith.addf %scan3A_131, %select_n3A_193 : vector<16xf32>
        %add3A_195 = arith.constant 64 : i32
        %add3A_196 = arith.addi %mul3A_137, %add3A_195 : i32
        %get3A_197 = arith.constant 1 : i32
        %get3A_198 = arith.index_cast %get3A_197 : i32 to index
        %get3A_199 = arith.index_cast %scan3A_86 : i32 to index
        %get3A_200 = arith.index_cast %add3A_196 : i32 to index
        %get3A_201 = tpu.vector_load %arg5[%get3A_198, %get3A_199, %get3A_200] {strides = array<i32>} : memref<2x16x2560xf32, #tpu.memory_space<vmem>>, vector<1x1x16xf32>,
        %get3A_202 = vector.shape_cast %get3A_201 : vector<1x1x16xf32> to vector<16xf32>
        %lt3A_203 = arith.cmpf olt, %get3A_202, %get3A_89 : vector<16xf32>
        %jit3A_204 = arith.constant 1.000000e+00 : f32
        %jit3A_205 = arith.constant 0.000000e+00 : f32
        %broadcast_in_dim3A_206 = vector.broadcast %jit3A_204 : f32 to vector<16xf32>
        %broadcast_in_dim3A_207 = vector.broadcast %jit3A_205 : f32 to vector<16xf32>
        %select_n3A_208 = arith.select %lt3A_203, %broadcast_in_dim3A_206, %broadcast_in_dim3A_207 : vector<16xi1>, vector<16xf32>
        %add3A_209 = arith.addf %scan3A_132, %select_n3A_208 : vector<16xf32>
        %add3A_210 = arith.constant 80 : i32
        %add3A_211 = arith.addi %mul3A_137, %add3A_210 : i32
        %get3A_212 = arith.constant 1 : i32
        %get3A_213 = arith.index_cast %get3A_212 : i32 to index
        %get3A_214 = arith.index_cast %scan3A_86 : i32 to index
        %get3A_215 = arith.index_cast %add3A_211 : i32 to index
        %get3A_216 = tpu.vector_load %arg5[%get3A_213, %get3A_214, %get3A_215] {strides = array<i32>} : memref<2x16x2560xf32, #tpu.memory_space<vmem>>, vector<1x1x16xf32>,
        %get3A_217 = vector.shape_cast %get3A_216 : vector<1x1x16xf32> to vector<16xf32>
        %lt3A_218 = arith.cmpf olt, %get3A_217, %get3A_89 : vector<16xf32>
        %jit3A_219 = arith.constant 1.000000e+00 : f32
        %jit3A_220 = arith.constant 0.000000e+00 : f32
        %broadcast_in_dim3A_221 = vector.broadcast %jit3A_219 : f32 to vector<16xf32>
        %broadcast_in_dim3A_222 = vector.broadcast %jit3A_220 : f32 to vector<16xf32>
        %select_n3A_223 = arith.select %lt3A_218, %broadcast_in_dim3A_221, %broadcast_in_dim3A_222 : vector<16xi1>, vector<16xf32>
        %add3A_224 = arith.addf %scan3A_133, %select_n3A_223 : vector<16xf32>
        %add3A_225 = arith.constant 96 : i32
        %add3A_226 = arith.addi %mul3A_137, %add3A_225 : i32
        %get3A_227 = arith.constant 1 : i32
        %get3A_228 = arith.index_cast %get3A_227 : i32 to index
        %get3A_229 = arith.index_cast %scan3A_86 : i32 to index
        %get3A_230 = arith.index_cast %add3A_226 : i32 to index
        %get3A_231 = tpu.vector_load %arg5[%get3A_228, %get3A_229, %get3A_230] {strides = array<i32>} : memref<2x16x2560xf32, #tpu.memory_space<vmem>>, vector<1x1x16xf32>,
        %get3A_232 = vector.shape_cast %get3A_231 : vector<1x1x16xf32> to vector<16xf32>
        %lt3A_233 = arith.cmpf olt, %get3A_232, %get3A_89 : vector<16xf32>
        %jit3A_234 = arith.constant 1.000000e+00 : f32
        %jit3A_235 = arith.constant 0.000000e+00 : f32
        %broadcast_in_dim3A_236 = vector.broadcast %jit3A_234 : f32 to vector<16xf32>
        %broadcast_in_dim3A_237 = vector.broadcast %jit3A_235 : f32 to vector<16xf32>
        %select_n3A_238 = arith.select %lt3A_233, %broadcast_in_dim3A_236, %broadcast_in_dim3A_237 : vector<16xi1>, vector<16xf32>
        %add3A_239 = arith.addf %scan3A_134, %select_n3A_238 : vector<16xf32>
        %add3A_240 = arith.constant 112 : i32
        %add3A_241 = arith.addi %mul3A_137, %add3A_240 : i32
        %get3A_242 = arith.constant 1 : i32
        %get3A_243 = arith.index_cast %get3A_242 : i32 to index
        %get3A_244 = arith.index_cast %scan3A_86 : i32 to index
        %get3A_245 = arith.index_cast %add3A_241 : i32 to index
        %get3A_246 = tpu.vector_load %arg5[%get3A_243, %get3A_244, %get3A_245] {strides = array<i32>} : memref<2x16x2560xf32, #tpu.memory_space<vmem>>, vector<1x1x16xf32>,
        %get3A_247 = vector.shape_cast %get3A_246 : vector<1x1x16xf32> to vector<16xf32>
        %lt3A_248 = arith.cmpf olt, %get3A_247, %get3A_89 : vector<16xf32>
        %jit3A_249 = arith.constant 1.000000e+00 : f32
        %jit3A_250 = arith.constant 0.000000e+00 : f32
        %broadcast_in_dim3A_251 = vector.broadcast %jit3A_249 : f32 to vector<16xf32>
        %broadcast_in_dim3A_252 = vector.broadcast %jit3A_250 : f32 to vector<16xf32>
        %select_n3A_253 = arith.select %lt3A_248, %broadcast_in_dim3A_251, %broadcast_in_dim3A_252 : vector<16xi1>, vector<16xf32>
        %add3A_254 = arith.addf %scan3A_135, %select_n3A_253 : vector<16xf32>
        scf.yield %add3A_149, %add3A_164, %add3A_179, %add3A_194, %add3A_209, %add3A_224, %add3A_239, %add3A_254 : vector<16xf32>, vector<16xf32>, vector<16xf32>, vector<16xf32>, vector<16xf32>, vector<16xf32>, vector<16xf32>, vector<16xf32>
      }
      %scan3A_110 = arith.constant 20 : i32
      %add3A_111 = arith.addf %scan3A_109#0, %scan3A_109#1 : vector<16xf32>
      %add3A_112 = arith.addf %add3A_111, %scan3A_109#2 : vector<16xf32>
      %add3A_113 = arith.addf %add3A_112, %scan3A_109#3 : vector<16xf32>
      %add3A_114 = arith.addf %add3A_113, %scan3A_109#4 : vector<16xf32>
      %add3A_115 = arith.addf %add3A_114, %scan3A_109#5 : vector<16xf32>
      %add3A_116 = arith.addf %add3A_115, %scan3A_109#6 : vector<16xf32>
      %add3A_117 = arith.addf %add3A_116, %scan3A_109#7 : vector<16xf32>
      %get3A_118 = arith.index_cast %scan3A_86 : i32 to index
      %get3A_119 = arith.constant 0 : index
      %get3A_120 = tpu.vector_load %arg7[%get3A_118, %get3A_119] {strides = array<i32>} : memref<16x16xf32, #tpu.memory_space<vmem>>, vector<1x16xf32>,
      %get3A_121 = vector.shape_cast %get3A_120 : vector<1x16xf32> to vector<16xf32>
      %add3A_122 = arith.addf %get3A_121, %add3A_117 : vector<16xf32>
      %swap3A = arith.index_cast %scan3A_86 : i32 to index
      %swap3A_123 = arith.constant 0 : index
      %swap3A_124 = tpu.vector_load %arg7[%swap3A, %swap3A_123] {strides = array<i32>} : memref<16x16xf32, #tpu.memory_space<vmem>>, vector<1x16xf32>,
      %swap3A_125 = vector.shape_cast %swap3A_124 : vector<1x16xf32> to vector<16xf32>
      %swap3A_126 = vector.shape_cast %add3A_122 : vector<16xf32> to vector<1x16xf32>
      tpu.vector_store %arg7[%swap3A, %swap3A_123], %swap3A_126 {strides = array<i32>} : memref<16x16xf32, #tpu.memory_space<vmem>>, vector<1x16xf32>,
    }
    %scan3A_85 = arith.constant 16 : i32
    "tpu.region"() ({
      %run_scoped3A = tpu.sem_alloc : memref<!tpu.dma_semaphore, #tpu.memory_space<semaphore_mem>>
      %dma_start3A_86 = arith.constant 0 : i32
      %dma_start3A_87 = arith.constant 0 : i32
      %dma_start3A_88 = tpu.memref_slice %arg4[%add3A, %dma_start3A_86, %dma_start3A_87] : memref<32x16x16xf32, #tpu.memory_space<hbm>> -> memref<1x16x16xf32, #tpu.memory_space<hbm>>
      %dma_start3A_89 = tpu.memref_squeeze %dma_start3A_88 : memref<1x16x16xf32, #tpu.memory_space<hbm>> -> memref<16x16xf32, #tpu.memory_space<hbm>>
      %dma_start3A_90 = arith.constant 0 : i32
      %dma_start3A_91 = arith.constant 0 : i32
      %dma_start3A_92 = tpu.memref_slice %arg4[%add3A, %dma_start3A_90, %dma_start3A_91] : memref<32x16x16xf32, #tpu.memory_space<hbm>> -> memref<1x16x16xf32, #tpu.memory_space<hbm>>
      %dma_start3A_93 = tpu.memref_squeeze %dma_start3A_92 : memref<1x16x16xf32, #tpu.memory_space<hbm>> -> memref<16x16xf32, #tpu.memory_space<hbm>>
      tpu.enqueue_dma source(%arg7 : memref<16x16xf32, #tpu.memory_space<vmem>>) target(%dma_start3A_93 : memref<16x16xf32, #tpu.memory_space<hbm>>) target_semaphore(%run_scoped3A : memref<!tpu.dma_semaphore, #tpu.memory_space<semaphore_mem>>)
      %dma_wait3A_94 = arith.constant 0 : i32
      %dma_wait3A_95 = arith.constant 0 : i32
      %dma_wait3A_96 = tpu.memref_slice %arg4[%add3A, %dma_wait3A_94, %dma_wait3A_95] : memref<32x16x16xf32, #tpu.memory_space<hbm>> -> memref<1x16x16xf32, #tpu.memory_space<hbm>>
      %dma_wait3A_97 = tpu.memref_squeeze %dma_wait3A_96 : memref<1x16x16xf32, #tpu.memory_space<hbm>> -> memref<16x16xf32, #tpu.memory_space<hbm>>
      %dma_wait3A_98 = arith.constant 0 : i32
      %dma_wait3A_99 = arith.constant 0 : i32
      %dma_wait3A_100 = tpu.memref_slice %arg4[%add3A, %dma_wait3A_98, %dma_wait3A_99] : memref<32x16x16xf32, #tpu.memory_space<hbm>> -> memref<1x16x16xf32, #tpu.memory_space<hbm>>
      %dma_wait3A_101 = tpu.memref_squeeze %dma_wait3A_100 : memref<1x16x16xf32, #tpu.memory_space<hbm>> -> memref<16x16xf32, #tpu.memory_space<hbm>>
      tpu.wait_dma2 semaphore(%run_scoped3A : memref<!tpu.dma_semaphore, #tpu.memory_space<semaphore_mem>>) src(%arg7 : memref<16x16xf32, #tpu.memory_space<vmem>>) dst(%dma_wait3A_101 : memref<16x16xf32, #tpu.memory_space<hbm>>)
      tpu.yield
    }) : () -> ()
    return
  }
}

module attributes {stable_mosaic.version = 14 : i64} {
  func.func @_tcount_tc(%arg0: i32, %arg1: memref<16x16xf32, #tpu.memory_space<vmem>>, %arg2: memref<16x32768xf32, #tpu.memory_space<vmem>>, %arg3: memref<16x128xf32, #tpu.memory_space<vmem>>) attributes {dimension_semantics = [#tpu.dimension_semantics<arbitrary>], iteration_bounds = array<i64: 15>, scalar_prefetch = 0 : i64, scratch_operands = 0 : i64, tpu.core_type = #tpu.core_type<tc>, window_params = [{pipeline_mode = #tpu.pipeline_mode<synchronous>, transform_indices = @transform_0, window_bounds = array<i64: 16, 16>}, {transform_indices = @transform_1, window_bounds = array<i64: 16, 32768>}, {transform_indices = @transform_2, window_bounds = array<i64: 16, 128>}]} {
    %get3A = arith.constant 0 : index
    %get3A_0 = arith.constant 0 : index
    %get3A_1 = vector.load %arg1[%get3A, %get3A_0] : memref<16x16xf32, #tpu.memory_space<vmem>>, vector<16x16xf32>
    %slice3A = vector.extract_strided_slice %get3A_1 {offsets = [0, 0], sizes = [16, 1], strides = [1, 1]} : vector<16x16xf32> to vector<16x1xf32>
    %get3A_2 = arith.constant 0 : index
    %get3A_3 = arith.constant 0 : index
    %get3A_4 = vector.load %arg2[%get3A_2, %get3A_3] : memref<16x32768xf32, #tpu.memory_space<vmem>>, vector<16x32768xf32>
    %lt3A = vector.broadcast %slice3A : vector<16x1xf32> to vector<16x32768xf32>
    %lt3A_5 = arith.cmpf olt, %get3A_4, %lt3A : vector<16x32768xf32>
    %jit3A = arith.constant 1.000000e+00 : f32
    %jit3A_6 = arith.constant 0.000000e+00 : f32
    %broadcast_in_dim3A = vector.broadcast %jit3A : f32 to vector<16x32768xf32>
    %broadcast_in_dim3A_7 = vector.broadcast %jit3A_6 : f32 to vector<16x32768xf32>
    %select_n3A = arith.select %lt3A_5, %broadcast_in_dim3A, %broadcast_in_dim3A_7 : vector<16x32768xi1>, vector<16x32768xf32>
    %reduce_sum3A = arith.constant dense<0.000000e+00> : vector<16xf32>
    %reduce_sum3A_8 = vector.multi_reduction <add>, %select_n3A, %reduce_sum3A [1] : vector<16x32768xf32> to vector<16xf32>
    %broadcast_in_dim3A_9 = vector.shape_cast %reduce_sum3A_8 : vector<16xf32> to vector<16x1xf32>
    %broadcast_in_dim3A_10 = vector.shape_cast %broadcast_in_dim3A_9 : vector<16x1xf32> to vector<16x1xf32>
    %broadcast_in_dim3A_11 = vector.broadcast %broadcast_in_dim3A_10 : vector<16x1xf32> to vector<16x128xf32>
    %swap3A = arith.constant 0 : index
    %swap3A_12 = arith.constant 0 : index
    %swap3A_13 = vector.load %arg3[%swap3A, %swap3A_12] : memref<16x128xf32, #tpu.memory_space<vmem>>, vector<16x128xf32>
    tpu.vector_store %arg3[%swap3A, %swap3A_12], %broadcast_in_dim3A_11 {strides = array<i32>} : memref<16x128xf32, #tpu.memory_space<vmem>>, vector<16x128xf32>,
    return
  }
  func.func @transform_0(%arg0: i32) -> (i32, i32) {
    %c0_i32 = arith.constant 0 : i32
    %c0_i32_0 = arith.constant 0 : i32
    %c0_i32_1 = arith.constant 0 : i32
    return %c0_i32, %c0_i32_0 : i32, i32
  }
  func.func @transform_1(%arg0: i32) -> (i32, i32) {
    %add3A = arith.constant 15 : i32
    %add3A_0 = arith.addi %arg0, %add3A : i32
    %c0_i32 = arith.constant 0 : i32
    %c0_i32_1 = arith.constant 0 : i32
    return %c0_i32, %add3A_0 : i32, i32
  }
  func.func @transform_2(%arg0: i32) -> (i32, i32) {
    %c0_i32 = arith.constant 0 : i32
    %c0_i32_0 = arith.constant 0 : i32
    return %c0_i32, %arg0 : i32, i32
  }
}

module attributes {stable_mosaic.version = 14 : i64} {
  func.func @_combine_tc(%arg0: memref<32x16x16xf32, #tpu.memory_space<vmem>>, %arg1: memref<16x1920xf32, #tpu.memory_space<vmem>>, %arg2: memref<64x16xf32, #tpu.memory_space<vmem>>, %arg3: memref<16x16960xf32, #tpu.memory_space<vmem>>, %arg4: memref<16xf32, #tpu.memory_space<vmem>>, %arg5: memref<1x64xf32, #tpu.memory_space<vmem>>) attributes {dimension_semantics = [], scalar_prefetch = 0 : i64, scratch_operands = 0 : i64, tpu.core_type = #tpu.core_type<tc>} {
    %get3A = arith.constant 0 : index
    %get3A_0 = vector.load %arg4[%get3A] : memref<16xf32, #tpu.memory_space<vmem>>, vector<16xf32>
    %neg3A = arith.constant 0.000000e+00 : f32
    %neg3A_1 = vector.broadcast %neg3A : f32 to vector<16xf32>
    %neg3A_2 = arith.subf %neg3A_1, %get3A_0 : vector<16xf32>
    %exp3A = math.exp %neg3A_2 : vector<16xf32>
    %add3A = arith.constant 1.000000e+00 : f32
    %add3A_3 = vector.broadcast %add3A : f32 to vector<16xf32>
    %add3A_4 = arith.addf %add3A_3, %exp3A : vector<16xf32>
    %div3A = arith.constant 1.000000e+00 : f32
    %div3A_5 = vector.broadcast %div3A : f32 to vector<16xf32>
    %div3A_6 = arith.divf %div3A_5, %add3A_4 : vector<16xf32>
    %get3A_7 = arith.constant 0 : index
    %get3A_8 = arith.constant 0 : index
    %get3A_9 = vector.load %arg3[%get3A_7, %get3A_8] : memref<16x16960xf32, #tpu.memory_space<vmem>>, vector<16x16960xf32>
    %broadcast_in_dim3A = vector.shape_cast %div3A_6 : vector<16xf32> to vector<16x1xf32>
    %lt3A = vector.broadcast %broadcast_in_dim3A : vector<16x1xf32> to vector<16x16960xf32>
    %lt3A_10 = arith.cmpf olt, %get3A_9, %lt3A : vector<16x16960xf32>
    %jit3A = arith.constant 1.000000e+00 : f32
    %jit3A_11 = arith.constant 0.000000e+00 : f32
    %broadcast_in_dim3A_12 = vector.broadcast %jit3A : f32 to vector<16x16960xf32>
    %broadcast_in_dim3A_13 = vector.broadcast %jit3A_11 : f32 to vector<16x16960xf32>
    %select_n3A = arith.select %lt3A_10, %broadcast_in_dim3A_12, %broadcast_in_dim3A_13 : vector<16x16960xi1>, vector<16x16960xf32>
    %reduce_sum3A = arith.constant dense<0.000000e+00> : vector<16xf32>
    %reduce_sum3A_14 = vector.multi_reduction <add>, %select_n3A, %reduce_sum3A [1] : vector<16x16960xf32> to vector<16xf32>
    %get3A_15 = arith.constant 0 : index
    %get3A_16 = arith.constant 0 : index
    %get3A_17 = arith.constant 0 : index
    %get3A_18 = vector.load %arg0[%get3A_15, %get3A_16, %get3A_17] : memref<32x16x16xf32, #tpu.memory_space<vmem>>, vector<32x16x16xf32>
    %reduce_sum3A_19 = arith.constant dense<0.000000e+00> : vector<16xf32>
    %reduce_sum3A_20 = vector.multi_reduction <add>, %get3A_18, %reduce_sum3A_19 [0, 2] : vector<32x16x16xf32> to vector<16xf32>
    %get3A_21 = arith.constant 0 : index
    %get3A_22 = arith.constant 0 : index
    %get3A_23 = vector.load %arg1[%get3A_21, %get3A_22] : memref<16x1920xf32, #tpu.memory_space<vmem>>, vector<16x1920xf32>
    %reduce_sum3A_24 = arith.constant dense<0.000000e+00> : vector<16xf32>
    %reduce_sum3A_25 = vector.multi_reduction <add>, %get3A_23, %reduce_sum3A_24 [1] : vector<16x1920xf32> to vector<16xf32>
    %mul3A = arith.constant 7.812500e-03 : f32
    %mul3A_26 = vector.broadcast %mul3A : f32 to vector<16xf32>
    %mul3A_27 = arith.mulf %reduce_sum3A_25, %mul3A_26 : vector<16xf32>
    %add3A_28 = arith.addf %reduce_sum3A_20, %mul3A_27 : vector<16xf32>
    %add3A_29 = arith.addf %add3A_28, %reduce_sum3A_14 : vector<16xf32>
    %mul3A_30 = arith.constant 2.000000e-06 : f32
    %mul3A_31 = vector.broadcast %mul3A_30 : f32 to vector<16xf32>
    %mul3A_32 = arith.mulf %mul3A_31, %add3A_29 : vector<16xf32>
    %sub3A = arith.constant 1.000000e+00 : f32
    %sub3A_33 = vector.broadcast %sub3A : f32 to vector<16xf32>
    %sub3A_34 = arith.subf %sub3A_33, %mul3A_32 : vector<16xf32>
    %get3A_35 = arith.constant 0 : index
    %get3A_36 = arith.constant 0 : index
    %get3A_37 = vector.load %arg2[%get3A_35, %get3A_36] : memref<64x16xf32, #tpu.memory_space<vmem>>, vector<64x16xf32>
    %broadcast_in_dim3A_38 = vector.shape_cast %sub3A_34 : vector<16xf32> to vector<1x16xf32>
    %mul3A_39 = vector.broadcast %broadcast_in_dim3A_38 : vector<1x16xf32> to vector<64x16xf32>
    %mul3A_40 = arith.mulf %get3A_37, %mul3A_39 : vector<64x16xf32>
    %reduce_sum3A_41 = arith.constant dense<0.000000e+00> : vector<64xf32>
    %reduce_sum3A_42 = vector.multi_reduction <add>, %mul3A_40, %reduce_sum3A_41 [1] : vector<64x16xf32> to vector<64xf32>
    %broadcast_in_dim3A_43 = vector.shape_cast %reduce_sum3A_42 : vector<64xf32> to vector<1x64xf32>
    %swap3A = arith.constant 0 : index
    %swap3A_44 = arith.constant 0 : index
    %swap3A_45 = vector.load %arg5[%swap3A, %swap3A_44] : memref<1x64xf32, #tpu.memory_space<vmem>>, vector<1x64xf32>
    tpu.vector_store %arg5[%swap3A, %swap3A_44], %broadcast_in_dim3A_43 {strides = array<i32>} : memref<1x64xf32, #tpu.memory_space<vmem>>, vector<1x64xf32>,
    return
  }
}

</mosaic_0001>

<sc_bundles>
// kernel: kernel.5.cloned.1.call-start
scs
__scs_entry_jumppad:
0x0: {  	(pc) =	sbr.rel $0x88, $3  }
0x1: {  	(tag) =	ssettag $0x0;
	lr =	simm.s32 $0x1  }
0x2: {  	[smem:$0x3F9E] =	sst lr;
	_ =	strace $0xD0000000  }
0x3: {  	_ = 	snop  }
0x4: {  	_ = 	snop  }
0x5: {  	_ = 	snop  }
0x6: {  	_ = 	snop  }
0x7: {  	_ = 	snop  }
__scs_overlays_trampoline_lowered:
0x8: {  	[smem:$0x3FAD] =	sst s0  }
0x9: {  	[smem:$0x3FAE] =	sst s1  }
0xa: {  	[smem:$0x3FAF] =	sst s2  }
0xb: {  	[smem:$0x3FB0] =	sst s3  }
0xc: {  	[smem:$0x3FB1] =	sst s4  }
0xd: {  	[smem:$0x3FB2] =	sst s5  }
0xe: {  	[smem:$0x3FB3] =	sst s6  }
0xf: {  	[smem:$0x3FB4] =	sst s7  }
0x10: {  	[smem:$0x3FB5] =	sst s8  }
0x11: {  	[smem:$0x3FB6] =	sst s9;
	s0 =	simm.s32 @!p0 $0x0  }
0x12: {  	s1 =	sld [smem:$0x3F9C];
	s0 =	simm.s32 @p0 $0x1  }
0x13: {  	[smem:$0x3FB7] =	sst s0;
	s0 =	simm.s32 @!p1 $0x0  }
0x14: {  	s2 =	sld [smem:$0x3F9B];
	s0 =	simm.s32 @p1 $0x1  }
0x15: {  	[smem:$0x3FB8] =	sst s0;
	s0 =	simm.s32 @!p2 $0x0  }
0x16: {  	s3 =	sld [smem:$0x3FDB];
	s0 =	simm.s32 @p2 $0x1  }
0x17: {  	s4 =	simm.s32 $0x1BF5;
	[smem:$0x3FBA] =	sst s0  }
0x18: {  	s0 =	sld [smem:$0x3F9D];
	_ =	swait.ge [sflag:s4], $0x0  }
0x19: {  	s7 =	sld [smem:$0x3F9E]  }
0x1a: {  	s8 =	sadd.s32 $0xFFFFE003, lr  }
0x1b: {  	s9 =	sadd.s32 $0xFFFFFEF7, lr;
	s5 =	simm.s32 $0xFFFFFFFF;
	p2 =	slt.u32 s8, $0xFFFFF086  }
0x1c: {  	p1 =	slt.u32 s9, $0xF7A;
	s5 =	simm.s32 @!p2 $0x0  }
0x1d: {  	s5 =	simm.s32 @p1 $0x1;
	p0 =	seq.s32 s7, s2  }
0x1e: {  	s7 =	smul.u32 @!p0 $0xF7A, s2;
	p2 =	seq.s32 @!p0 s5, $0x0  }
0x1f: {  	s9 =	smul.u32 $0xF7A, s1;
	s8 =	simm.s32 @!p0 $0x1BF5;
	p2 =	por !p2, p0  }
0x20: {  	[sflag:s8] =	ssyncset.s32 @!p0 $0xFFFFF086;
	s6 =	sadd.s32 @!p0 s3, s7;
	s7 =	simm.s32 @!p0 $0x108  }
0x21: {  	s3 =	sadd.s32 s3, s9;
	s6 =	sadd.s32 @!p0 $0x88, s6;
	s7 =	simm.s32 @p2 $0x1082  }
0x22: {  	[simem:s7], [sflag:s8] =	dma.local @!p0 [hbm:s6], $0xF7A  }
0x23: {  	s9 =	sor.u32 $0xD0000000, s2;
	s6 =	simm.s32 $0x108;
	_ =	swait.ge @!p0 [sflag:s8], $0x0  }
0x24: {  	s3 =	sadd.s32 $0x88, s3;
	s6 =	simm.s32 @!p1 $0x1082;
	[sflag:s4] =	ssyncset.s32 $0xFFFFF086  }
0x25: {  	[simem:s6], [sflag:s4] =	dma.local [hbm:s3], $0xF7A  }
0x26: {  	[smem:$0x3F9E] =	sst s1;
	(tag) =	ssettag s2;
	_ =	strace s9  }
0x27: {  	s1 =	sld [smem:$0x3FAE]  }
0x28: {  	s2 =	sld [smem:$0x3FAF]  }
0x29: {  	s4 =	sld [smem:$0x3FB1]  }
0x2a: {  	p0 =	seq.s32 s5, $0x0;
	s5 =	sld [smem:$0x3FB2]  }
0x2b: {  	s6 =	sld [smem:$0x3FB3]  }
0x2c: {  	s7 =	sld [smem:$0x3FB4]  }
0x2d: {  	s3 =	simm.s32 $0x108;
	s8 =	sld [smem:$0x3FB5]  }
0x2e: {  	s3 =	simm.s32 @!p0 $0x1082;
	s9 =	sld [smem:$0x3FB6]  }
0x2f: {  	lr =	sadd.s32 s0, s3;
	s0 =	sld [smem:$0x3FAD]  }
0x30: {  	s3 =	sld [smem:$0x3FB0]  }
0x31: {  	[smem:$0x3FB9] =	sst s10  }
0x32: {  	s10 =	sld [smem:$0x3FB7];
	_ =	sdelay $0x3  }
0x33: {  	p0 =	seq.s32 s10, $0x1;
	s10 =	sld [smem:$0x3FB9];
	_ =	sdelay $0x3  }
0x34: {  	[smem:$0x3FB9] =	sst s10  }
0x35: {  	s10 =	sld [smem:$0x3FB8];
	_ =	sdelay $0x3  }
0x36: {  	p1 =	seq.s32 s10, $0x1;
	s10 =	sld [smem:$0x3FB9];
	_ =	sdelay $0x3  }
0x37: {  	[smem:$0x3FB9] =	sst s10  }
0x38: {  	s10 =	sld [smem:$0x3FBA]  }
0x39: {  	_ = 	snop;
	(pc) =	sbr.ind lr, $3  }
0x3a: {  	_ = 	snop  }
0x3b: {  	_ = 	snop  }
0x3c: {  	p2 =	seq.s32 s10, $0x1;
	s10 =	sld [smem:$0x3FB9]  }
0x3d: {  	_ =	shalt  }
0x3e: {  	_ =	shalt  }
0x3f: {  	_ =	shalt  }
0x40: {  	_ =	shalt  }
0x41: {  	_ =	shalt  }
0x42: {  	_ =	shalt  }
0x43: {  	_ =	shalt  }
0x44: {  	_ =	shalt  }
0x45: {  	_ =	shalt  }
0x46: {  	_ =	shalt  }
0x47: {  	_ =	shalt  }
0x48: {  	_ =	shalt  }
0x49: {  	_ =	shalt  }
0x4a: {  	_ =	shalt  }
0x4b: {  	_ =	shalt  }
0x4c: {  	_ =	shalt  }
0x4d: {  	_ =	shalt  }
0x4e: {  	_ =	shalt  }
0x4f: {  	_ =	shalt  }
0x50: {  	_ =	shalt  }
0x51: {  	_ =	shalt  }
0x52: {  	_ =	shalt  }
0x53: {  	_ =	shalt  }
0x54: {  	_ =	shalt  }
0x55: {  	_ =	shalt  }
0x56: {  	_ =	shalt  }
0x57: {  	_ =	shalt  }
0x58: {  	_ =	shalt  }
0x59: {  	_ =	shalt  }
0x5a: {  	_ =	shalt  }
0x5b: {  	_ =	shalt  }
0x5c: {  	_ =	shalt  }
0x5d: {  	_ =	shalt  }
0x5e: {  	_ =	shalt  }
0x5f: {  	_ =	shalt  }
0x60: {  	_ =	shalt  }
0x61: {  	_ =	shalt  }
0x62: {  	_ =	shalt  }
0x63: {  	_ =	shalt  }
0x64: {  	_ =	shalt  }
0x65: {  	_ =	shalt  }
0x66: {  	_ =	shalt  }
0x67: {  	_ =	shalt  }
0x68: {  	_ =	shalt  }
0x69: {  	_ =	shalt  }
0x6a: {  	_ =	shalt  }
0x6b: {  	_ =	shalt  }
0x6c: {  	_ =	shalt  }
0x6d: {  	_ =	shalt  }
0x6e: {  	_ =	shalt  }
0x6f: {  	_ =	shalt  }
0x70: {  	_ =	shalt  }
0x71: {  	_ =	shalt  }
0x72: {  	_ =	shalt  }
0x73: {  	_ =	shalt  }
0x74: {  	_ =	shalt  }
0x75: {  	_ =	shalt  }
0x76: {  	_ =	shalt  }
0x77: {  	_ =	shalt  }
0x78: {  	_ =	shalt  }
0x79: {  	_ =	shalt  }
0x7a: {  	_ =	shalt  }
0x7b: {  	_ =	shalt  }
0x7c: {  	_ =	shalt  }
0x7d: {  	_ =	shalt  }
0x7e: {  	_ =	shalt  }
0x7f: {  	_ =	shalt  }
0x80: {  	_ =	shalt  }
0x81: {  	_ =	shalt  }
0x82: {  	_ =	shalt  }
0x83: {  	_ =	shalt  }
0x84: {  	_ =	shalt  }
0x85: {  	_ =	shalt  }
0x86: {  	_ =	shalt  }
0x87: {  	_ =	shalt  }
.Lfunc_end0:
.L_simem_size_0:
called_computation_lowered:
.L_overlay_start_0:
0x88: {  	s2 =	sld [smem:$0x3FD9]  }
0x89: {  	s3 =	sld [smem:$0x3FFE];
	_ =	sdelay $0x1  }
0x8a: {  	s1 =	srdreg.scid  }
0x8b: {  	s0 =	sand.u32 $0x1, s1  }
0x8c: {  	s17 =	sshll.u32 s0, $0xA;
	s2 =	sadd.s32 s3, s2  }
0x8d: {  	s2 =	sadd.s32 s2, s17  }
0x8e: {  	[smem:$0x3FC5] =	sst s2  }
0x8f: {  	_ = 	snop  }
0x90: {  	s2 =	sld [smem:$0x3FC8];
	(tm) =	ssettm $0x1  }
0x91: {  	s18 =	sld [smem:$0x3FFB];
	_ =	sdelay $0x3  }
0x92: {  	_ =	strace s18  }
0x93: {  	s3 =	sld [smem:$0x3FFC];
	_ =	sdelay $0x3  }
0x94: {  	_ =	strace s3  }
0x95: {  	s3 =	sld [smem:$0x3FFD];
	_ =	sdelay $0x3  }
0x96: {  	_ =	strace s3  }
0x97: {  	_ =	strace $0x8FFFFFFF  }
0x98: {  	s19 =	sld [smem:$0x3FDB];
	_ =	sdelay $0x1  }
0x99: {  	s4 =	simm.s32 $_scs_section_size  }
0x9a: {  	s5 =	simm.s32 $_size__tile_overlayer_lowered;
	s6 =	simm.s32 $_tile_overlayer_lowered  }
0x9b: {  	s22 =	simm.s32 $0x1BFF;
	s21 =	sshll.u32 s6, $0x1;
	s3 =	sadd.s32 s4, s19  }
0x9c: {  	s7 =	simm.s32 $0x0;
	s20 =	sshll.u32 s5, $0x1;
	s5 =	sadd.s32 s21, s3  }
0x9d: {  	[timem:s7], [sflag:s22] =	dma.local [hbm:s5], s20  }
0x9e: {  	_ =	swait.ge [sflag:s22], s20  }
0x9f: {  	s4 =	ssub.s32 $0x0, s20;
	[sflag:s22] =	ssyncset.done $0x0  }
0xa0: {  	[sflag:s22] =	ssyncadd.s32 s4;
	_ =	sdelay $0x1  }
0xa1: {  	s23 =	simm.s32 $0x1B8B  }
0xa2: {  	_ =	swait.ge [sflag:s23], $0x1  }
0xa3: {  	[sflag:s23] =	ssyncset.done $0x0  }
0xa4: {  	s25 =	simm.s32 $0x1B8E;
	s24 =	sld [smem:$0x3FFE];
	[sflag:s23] =	ssyncadd.s32 $0xFFFFFFFF  }
0xa5: {  	s26 =	simm.s32 $execute0_lowered;
	[smem:$0x3FD2] =	sst s25  }
0xa6: {  	s5 =	sshll.u32 s26, $0x1;
	_ =	strace $0x80000046;
	[dreg:$0x1] =	wrdreg $0xFFFFFFFF  }
0xa7: {  	s28 =	simm.s32 $_size_execute0_lowered;
	s3 =	sadd.s32 s3, s5;
	[dreg:$0x0] =	wrdreg $0x0  }
0xa8: {  	s5 =	sshll.u32 s28, $0x1;
	[dreg:$0x2] =	wrdreg s3  }
0xa9: {  	[dreg:$0x3] =	wrdreg s5  }
0xaa: {  	[dreg:$0x4] =	wrdreg $0xC0  }
0xab: {  	_ =	task [dreg:s7], $0x5FFFF  }
0xac: {  	[dreg:$0x1] =	wrdreg $0xFFFFFFFF  }
0xad: {  	[dreg:$0x0] =	wrdreg $0x60  }
0xae: {  	[dreg:$0x2] =	wrdreg s24  }
0xaf: {  	[dreg:$0x3] =	wrdreg s2  }
0xb0: {  	[dreg:$0x4] =	wrdreg $0x9  }
0xb1: {  	_ =	task.clear_ibuf [dreg:s7], $0x5FFFF;
	_ =	strace $0x90000046  }
0xb2: {  	s29 =	simm.s32 $0x9;
	_ =	strace $0x80000048  }
0xb3: {  	_ =	swait.ge [sflag:s29], $0x1  }
0xb4: {  	[sflag:s29] =	ssyncadd.s32 $0xFFFFFFFF  }
0xb5: {  	_ =	strace $0x90000048  }
0xb6: {  	_ =	sfence  }
0xb7: {  	s30 =	sld [smem:$0x0];
	_ =	sdelay $0x2  }
0xb8: {  	s31 =	sshll.u32 s1, $0xD;
	s1 =	sshrl.u32 s1, $0x2  }
0xb9: {  	s3 =	sand.u32 $0x4000, s31;
	s1 =	sadd.s32 s1, s30  }
0xba: {  	s0 =	sor.u32 s3, s0;
	s1 =	sshll.u32 s1, $0x11  }
0xbb: {  	s0 =	sor.u32 s1, s0  }
0xbc: {  	s0 =	sadd.s32 $0x8F2B, s0  }
0xbd: {  	[sflag:s0] =	ssyncadd.remote.s32 $0x1  }
0xbe: {  	_ =	sfence.sel $0xFFFF  }
0xbf: {  	[dreg:$0x0] =	wrdreg $0xFFFFFFFF;
	(pc) =	sbr.abs _section_cstart, $3  }
0xc0: {  	[dreg:$0x1] =	wrdreg $0xFFFFFFFF  }
0xc1: {  	_ =	task.clear_ibuf [dreg:s7], $0x2FFFF;
	_ =	strace $0x9FFFFFFF  }
0xc2: {  	(tm) =	ssettm $0x7FFFFFFF  }
0xc3: {  	_ =	shalt  }
tec
execute0_lowered:
.L_overlay_start_1:
0x0: {  	(tag) =	ssettag $0x1  }
0x1: {  	s4 =	rddreg [dreg:$0x0]  }
0x2: {  	s5 =	rddreg [dreg:$0x1]  }
0x3: {  	s0 =	rddreg [dreg:$0x2]  }
0x4: {  	s3 =	srdreg.scid;
	s1 =	stileid.u32;
	s2 =	simm.s32 $0x0  }
0x5: {  	s11 =	simm.s32 $0x3;
	s12 =	simm.s32 $0x5000;
	s13 =	simm.s32 $0x7A1400  }
0x6: {  	s14 =	simm.s32 $0xA000;
	s15 =	simm.s32 $0x1;
	s16 =	simm.s32 $0x2  }
0x7: {  	s17 =	simm.s32 $0x14800;
	s6 =	sand.u32 $0x1, s3;
	s31 =	sshll.u32 s1, $0x1  }
0x8: {  	s18 =	simm.s32 $0x0;
	[smem:$0x7FF] =	sst s2;
	s7 =	sor.u32 s6, s31  }
0x9: {  	s3 =	sadd.s32 $0xC00, s4;
	_ =	strace $0x80000047;
	s8 =	smul.u32 $0x1E000, s7  }
0xa: {  	s6 =	ssub.s32 $0x2, s6;
	s9 =	sshll.u32 s7, $0x8;
	s7 =	smul.u32 $0x3C00, s7  }
0xb: {  	s10 =	sshrl.u32 s6, $0x1;
	s9 =	sadd.s32 s9, s4;
	s8 =	sshrl.u32 s8, $0x3  }
0xc: {  	s10 =	ssub.s32 s6, s10;
	s4 =	sadd.s32 s5, s7;
	s5 =	sadd.s32 s5, s8  }
0xd: {  	s6 =	sadd.s32 $0x1400, s4;
	s7 =	sadd.s32 $0x1E00, s4;
	s8 =	sadd.s32 $0xE00, s9  }
0xe: {  	v0 =	vimm.f32 $0.0e+00;
	s9 =	smax.u32 s10, $0x1;
	s10 =	simm.s32 $0x14000;
	s5 =	sadd.s32 $0xA00, s5  }
.LBB2_1:
0xf: {  	[tilespmem:s10], [sflag:$0x3] =	stream.linear.gather [hbm4b:s3+s2], $0x800, $0x38;
	[tilespmem:$0x15000] =	vst v63  }
0x10: {  	_ =	swait.ge [sflag:s11], $0x800  }
0x11: {  	[sflag:s11] =	ssyncset.done $0x0  }
0x12: {  	[sflag:s11] =	ssyncadd.s32 $0xFFFFF800  }
0x13: {  	[tilespmem:$0x14800] =	vst v0  }
0x14: {  	[tilespmem:$0x14880] =	vst v0  }
0x15: {  	[tilespmem:$0x14900] =	vst v0  }
0x16: {  	[tilespmem:$0x14980] =	vst v0  }
0x17: {  	[tilespmem:$0x14A00] =	vst v0  }
0x18: {  	[tilespmem:$0x14A80] =	vst v0  }
0x19: {  	[tilespmem:$0x14B00] =	vst v0  }
0x1a: {  	[tilespmem:$0x14B80] =	vst v0  }
0x1b: {  	[tilespmem:$0x14C00] =	vst v0  }
0x1c: {  	[tilespmem:$0x14C80] =	vst v0  }
0x1d: {  	[tilespmem:$0x14D00] =	vst v0  }
0x1e: {  	[tilespmem:$0x14D80] =	vst v0  }
0x1f: {  	[tilespmem:$0x14E00] =	vst v0  }
0x20: {  	[tilespmem:$0x14E80] =	vst v0  }
0x21: {  	[tilespmem:$0x14F00] =	vst v0  }
0x22: {  	[tilespmem:$0x14F80] =	vst v0  }
0x23: {  	[tilespmem:s2], [sflag:$0x1] =	stream.strided.gather [hbm4b:s4+s12], $0xA000, s13, s12, $0x38;
	[tilespmem:$0x15000] =	vst v63  }
0x24: {  	p1 =	por $0x1, $0x1;
	s19 =	simm.s32 $0x0  }
0x25: {  	[tilespmem:s14], [sflag:$0x2] =	stream.strided.gather [hbm4b:s5+s12], $0xA000, s13, s12, $0x38;
	[tilespmem:$0x15000] =	vst v63  }
.LBB2_2:
0x26: {  	_ =	swait.ge [sflag:s15], $0xA000  }
0x27: {  	p0 =	por p1, p1;
	[sflag:s15] =	ssyncset.done $0x0  }
0x28: {  	s20 =	simm.s32 $0x0;
	s21 =	simm.s32 $0x0;
	[sflag:s15] =	ssyncadd.s32 $0xFFFF6000  }
.LBB2_3:
0x29: {  	s22 =	sshrl.u32 s21, $0x3  }
0x2a: {  	s23 =	sand.u32 $0x7, s20;
	s22 =	smul.u32 $0x14000, s22  }
0x2b: {  	s23 =	sshll.u32 s23, $0x9  }
0x2c: {  	s22 =	sor.u32 s23, s22  }
0x2d: {  	s22 =	sshra.s32 s22, $0x2  }
0x2e: {  	s22 =	sor.u32 $0x40, s22  }
0x2f: {  	v3 =	vmov s22;
	_ =	sdelay $0x2  }
0x30: {  	s22 =	sshll.u32 s21, $0x7  }
0x31: {  	s25 =	simm.s32 $0x0;
	v1 =	vld [tilespmem:s22+$0x14000]  }
0x32: {  	v4 =	vld.idx.msk [tilespmem:v3+s25+$0x30 ss:$0x1], $0xffff  }
0x33: {  	v5 =	vld.idx.msk [tilespmem:v3+s25+$0xFFFFFFC0 ss:$0x1], $0xffff  }
0x34: {  	v17 =	vld.idx.msk [tilespmem:v3+s25+$0xFFFFFFD0 ss:$0x1], $0xffff  }
0x35: {  	v14 =	vld.idx.msk [tilespmem:v3+s25+$0xFFFFFFE0 ss:$0x1], $0xffff  }
0x36: {  	v2 =	vimm.f32 $0.0e+00;
	v16 =	vimm.f32 $0.0e+00;
	v12 =	vld.idx.msk [tilespmem:v3+s25+$0xFFFFFFF0 ss:$0x1], $0xffff  }
0x37: {  	v15 =	vimm.f32 $0.0e+00;
	v13 =	vimm.f32 $0.0e+00;
	v10 =	vimm.f32 $0.0e+00;
	v11 =	vld.idx.msk [tilespmem:v3+s25+$0x0 ss:$0x1], $0xffff  }
0x38: {  	v6 =	vimm.f32 $0.0e+00;
	v8 =	vld.idx.msk [tilespmem:v3+s25+$0x10 ss:$0x1], $0xffff;
	vm1 =	vlt.f32 v4, v1;
	vm0 =	vlt.f32 v5, v1  }
0x39: {  	s24 =	simm.s32 $0x2000;
	s23 =	simm.s32 $0x400;
	v7 =	vld.idx.msk [tilespmem:v3+s25+$0x20 ss:$0x1], $0xffff;
	v5 =	vimm.f32 $0.0e+00;
	v4 =	vimm.f32 $0.0e+00;
	v9 =	vsel vm1, $0x3F800000, v0  }
.LBB2_4:
0x3a: {  	p1 =	sne.s32 s24, $0x13000;
	v18 =	vld.idx.msk [tilespmem:v3+s23+$0x30 ss:$0x1], $0xffff;
	v19 =	vsel vm0, $0x3F800000, v0;
	vm0 =	vlt.f32 v17, v1;
	v2 =	vadd.f32 v9, v2  }
0x3b: {  	v9 =	vld.idx.msk [tilespmem:v3+s23+$0xFFFFFFC0 ss:$0x1], $0xffff;
	v16 =	vadd.f32 v19, v16;
	v19 =	vsel vm0, $0x3F800000, v0;
	vm0 =	vlt.f32 v14, v1  }
0x3c: {  	v17 =	vld.idx.msk [tilespmem:v3+s23+$0xFFFFFFD0 ss:$0x1], $0xffff;
	v15 =	vadd.f32 v19, v15;
	v19 =	vsel vm0, $0x3F800000, v0;
	vm0 =	vlt.f32 v12, v1  }
.Ltmp0:
0x3d: {  	v14 =	vld.idx.msk [tilespmem:v3+s23+$0xFFFFFFE0 ss:$0x1], $0xffff;
	v13 =	vadd.f32 v19, v13;
	v19 =	vsel vm0, $0x3F800000, v0;
	vm0 =	vlt.f32 v11, v1;
	(pc) =	sbr.rel @p1 .LBB2_4-.Ltmp0, $4  }
0x3e: {  	v12 =	vld.idx.msk [tilespmem:v3+s23+$0xFFFFFFF0 ss:$0x1], $0xffff;
	v10 =	vadd.f32 v19, v10;
	v19 =	vsel vm0, $0x3F800000, v0;
	vm0 =	vlt.f32 v8, v1  }
0x3f: {  	v11 =	vld.idx.msk [tilespmem:v3+s23+$0x0 ss:$0x1], $0xffff;
	v6 =	vadd.f32 v19, v6;
	v19 =	vsel vm0, $0x3F800000, v0;
	vm0 =	vlt.f32 v7, v1  }
0x40: {  	vm1 =	vlt.f32 v18, v1;
	v8 =	vld.idx.msk [tilespmem:v3+s23+$0x10 ss:$0x1], $0xffff;
	v5 =	vadd.f32 v19, v5;
	v18 =	vsel vm0, $0x3F800000, v0  }
0x41: {  	vm0 =	vlt.f32 v9, v1;
	v9 =	vsel vm1, $0x3F800000, v0;
	v7 =	vld.idx.msk [tilespmem:v3+s23+$0x20 ss:$0x1], $0xffff;
	s23 =	sshra.s32 s24, $0x2;
	s24 =	sadd.s32 $0x1000, s24;
	v4 =	vadd.f32 v18, v4  }
0x42: {  	_ =	sdelay $0x3  }
0x43: {  	v18 =	vld.idx.msk [tilespmem:v3+s23+$0xFFFFFFC0 ss:$0x1], $0xffff  }
0x44: {  	v19 =	vld.idx.msk [tilespmem:v3+s23+$0xFFFFFFD0 ss:$0x1], $0xffff  }
0x45: {  	vm1 =	vlt.f32 v17, v1;
	v42 =	vsel vm0, $0x3F800000, v0  }
0x46: {  	vm15 =	vlt.f32 v14, v1;
	v44 =	vld.idx.msk [tilespmem:v3+s23+$0xFFFFFFE0 ss:$0x1], $0xffff;
	v16 =	vadd.f32 v42, v16;
	v43 =	vsel vm1, $0x3F800000, v0  }
0x47: {  	v45 =	vsel vm15, $0x3F800000, v0;
	vm4 =	vlt.f32 v12, v1;
	v15 =	vadd.f32 v43, v15  }
0x48: {  	v48 =	vld.idx.msk [tilespmem:v3+s23+$0xFFFFFFF0 ss:$0x1], $0xffff;
	v46 =	vadd.f32 v45, v13;
	v47 =	vsel vm4, $0x3F800000, v0;
	vm5 =	vlt.f32 v11, v1  }
0x49: {  	v49 =	vsel vm5, $0x3F800000, v0;
	vm6 =	vlt.f32 v18, v1;
	vm7 =	vlt.f32 v19, v1  }
0x4a: {  	v50 =	vld.idx.msk [tilespmem:v3+s23+$0x0 ss:$0x1], $0xffff;
	v10 =	vadd.f32 v47, v10;
	v18 =	vsel vm6, $0x3F800000, v0;
	v19 =	vsel vm7, $0x3F800000, v0  }
0x4b: {  	vm8 =	vlt.f32 v44, v1;
	v16 =	vadd.f32 v18, v16;
	v51 =	vadd.f32 v19, v15  }
0x4c: {  	v52 =	vld.idx.msk [tilespmem:v3+s23+$0x10 ss:$0x1], $0xffff;
	vm9 =	vlt.f32 v8, v1;
	v6 =	vadd.f32 v49, v6;
	v53 =	vsel vm8, $0x3F800000, v0  }
0x4d: {  	vm10 =	vlt.f32 v48, v1;
	v54 =	vadd.f32 v53, v46;
	v55 =	vadd.f32 v51, v16  }
0x4e: {  	v57 =	vld.idx.msk [tilespmem:v3+s23+$0x20 ss:$0x1], $0xffff;
	v56 =	vsel vm9, $0x3F800000, v0;
	vm11 =	vlt.f32 v7, v1;
	v58 =	vsel vm10, $0x3F800000, v0  }
0x4f: {  	vm12 =	vlt.f32 v50, v1;
	v10 =	vadd.f32 v58, v10;
	v11 =	vadd.f32 v54, v55  }
0x50: {  	v3 =	vld.idx.msk [tilespmem:v3+s23+$0x30 ss:$0x1], $0xffff;
	v5 =	vadd.f32 v56, v5;
	v59 =	vsel vm11, $0x3F800000, v0;
	v13 =	vsel vm12, $0x3F800000, v0  }
0x51: {  	vm13 =	vlt.f32 v52, v1;
	v6 =	vadd.f32 v13, v6;
	v60 =	vadd.f32 v10, v11  }
0x52: {  	v4 =	vadd.f32 v59, v4;
	v61 =	vsel vm13, $0x3F800000, v0  }
0x53: {  	vm14 =	vlt.f32 v57, v1;
	v5 =	vadd.f32 v61, v5;
	v6 =	vadd.f32 v6, v60  }
0x54: {  	v2 =	vadd.f32 v9, v2;
	v7 =	vsel vm14, $0x3F800000, v0  }
0x55: {  	vm15 =	vlt.f32 v3, v1;
	v1 =	vadd.f32 v7, v4;
	v3 =	vadd.f32 v5, v6  }
0x56: {  	v63 =	vld [tilespmem:s22+$0x14800];
	v62 =	vsel vm15, $0x3F800000, v0  }
0x57: {  	s21 =	sadd.s32 $0x1, s21;
	v2 =	vadd.f32 v62, v2;
	v1 =	vadd.f32 v1, v3  }
0x58: {  	p1 =	sne.s32 s21, $0x10  }
.Ltmp1:
0x59: {  	v1 =	vadd.f32 v2, v1;
	(pc) =	sbr.rel @p1 .LBB2_3-.Ltmp1, $3  }
0x5a: {  	_ = 	snop  }
0x5b: {  	v1 =	vadd.f32 v63, v1;
	_ =	sdelay $0x1  }
0x5c: {  	s20 =	sadd.s32 $0x1, s20;
	[tilespmem:s22+$0x14800] =	vst v1  }
0x5d: {  	s21 =	sadd.s32 s19, s6;
	s20 =	simm.s32 $0x0  }
0x5e: {  	[tilespmem:s20], [sflag:$0x1] =	stream.strided.gather [hbm4b:s21+s12], $0xA000, s13, s12, $0x38;
	[tilespmem:$0x15000] =	vst v63  }
0x5f: {  	_ =	swait.ge [sflag:s16], $0xA000  }
0x60: {  	[sflag:s16] =	ssyncset.done $0x0  }
0x61: {  	s21 =	simm.s32 $0x0;
	[sflag:s16] =	ssyncadd.s32 $0xFFFF6000  }
.LBB2_7:
0x62: {  	s22 =	sshrl.u32 s21, $0x3  }
0x63: {  	s23 =	sand.u32 $0x7, s20;
	s22 =	smul.u32 $0x14000, s22  }
0x64: {  	s23 =	sshll.u32 s23, $0x9  }
0x65: {  	s22 =	sor.u32 s23, s22  }
0x66: {  	s22 =	sshra.s32 s22, $0x2  }
0x67: {  	v3 =	vmov s22;
	_ =	sdelay $0x2  }
0x68: {  	s22 =	sshll.u32 s21, $0x7  }
0x69: {  	s25 =	simm.s32 $0x0;
	v1 =	vld [tilespmem:s22+$0x14000]  }
0x6a: {  	v4 =	vld.idx.msk [tilespmem:v3+s25+$0xA070 ss:$0x1], $0xffff  }
0x6b: {  	v5 =	vld.idx.msk [tilespmem:v3+s25+$0xA000 ss:$0x1], $0xffff  }
0x6c: {  	v17 =	vld.idx.msk [tilespmem:v3+s25+$0xA010 ss:$0x1], $0xffff  }
0x6d: {  	v14 =	vld.idx.msk [tilespmem:v3+s25+$0xA020 ss:$0x1], $0xffff  }
0x6e: {  	v2 =	vimm.f32 $0.0e+00;
	v16 =	vimm.f32 $0.0e+00;
	v12 =	vld.idx.msk [tilespmem:v3+s25+$0xA030 ss:$0x1], $0xffff  }
0x6f: {  	v15 =	vimm.f32 $0.0e+00;
	v13 =	vimm.f32 $0.0e+00;
	v10 =	vimm.f32 $0.0e+00;
	v11 =	vld.idx.msk [tilespmem:v3+s25+$0xA040 ss:$0x1], $0xffff  }
0x70: {  	v6 =	vimm.f32 $0.0e+00;
	v8 =	vld.idx.msk [tilespmem:v3+s25+$0xA050 ss:$0x1], $0xffff;
	vm1 =	vlt.f32 v4, v1;
	vm0 =	vlt.f32 v5, v1  }
0x71: {  	s24 =	simm.s32 $0x2000;
	s23 =	simm.s32 $0x400;
	v7 =	vld.idx.msk [tilespmem:v3+s25+$0xA060 ss:$0x1], $0xffff;
	v5 =	vimm.f32 $0.0e+00;
	v4 =	vimm.f32 $0.0e+00;
	v9 =	vsel vm1, $0x3F800000, v0  }
.LBB2_8:
0x72: {  	p1 =	sne.s32 s24, $0x13000;
	v18 =	vld.idx.msk [tilespmem:v3+s23+$0xA070 ss:$0x1], $0xffff;
	v19 =	vsel vm0, $0x3F800000, v0;
	vm0 =	vlt.f32 v17, v1;
	v2 =	vadd.f32 v9, v2  }
0x73: {  	v9 =	vld.idx.msk [tilespmem:v3+s23+$0xA000 ss:$0x1], $0xffff;
	v16 =	vadd.f32 v19, v16;
	v19 =	vsel vm0, $0x3F800000, v0;
	vm0 =	vlt.f32 v14, v1  }
0x74: {  	v17 =	vld.idx.msk [tilespmem:v3+s23+$0xA010 ss:$0x1], $0xffff;
	v15 =	vadd.f32 v19, v15;
	v19 =	vsel vm0, $0x3F800000, v0;
	vm0 =	vlt.f32 v12, v1  }
.Ltmp2:
0x75: {  	v14 =	vld.idx.msk [tilespmem:v3+s23+$0xA020 ss:$0x1], $0xffff;
	v13 =	vadd.f32 v19, v13;
	v19 =	vsel vm0, $0x3F800000, v0;
	vm0 =	vlt.f32 v11, v1;
	(pc) =	sbr.rel @p1 .LBB2_8-.Ltmp2, $4  }
0x76: {  	v12 =	vld.idx.msk [tilespmem:v3+s23+$0xA030 ss:$0x1], $0xffff;
	v10 =	vadd.f32 v19, v10;
	v19 =	vsel vm0, $0x3F800000, v0;
	vm0 =	vlt.f32 v8, v1  }
0x77: {  	v11 =	vld.idx.msk [tilespmem:v3+s23+$0xA040 ss:$0x1], $0xffff;
	v6 =	vadd.f32 v19, v6;
	v19 =	vsel vm0, $0x3F800000, v0;
	vm0 =	vlt.f32 v7, v1  }
0x78: {  	vm1 =	vlt.f32 v18, v1;
	v8 =	vld.idx.msk [tilespmem:v3+s23+$0xA050 ss:$0x1], $0xffff;
	v5 =	vadd.f32 v19, v5;
	v18 =	vsel vm0, $0x3F800000, v0  }
0x79: {  	vm0 =	vlt.f32 v9, v1;
	v9 =	vsel vm1, $0x3F800000, v0;
	v7 =	vld.idx.msk [tilespmem:v3+s23+$0xA060 ss:$0x1], $0xffff;
	s23 =	sshra.s32 s24, $0x2;
	s24 =	sadd.s32 $0x1000, s24;
	v4 =	vadd.f32 v18, v4  }
0x7a: {  	_ =	sdelay $0x3  }
0x7b: {  	v18 =	vld.idx.msk [tilespmem:v3+s23+$0xA000 ss:$0x1], $0xffff  }
0x7c: {  	v19 =	vld.idx.msk [tilespmem:v3+s23+$0xA010 ss:$0x1], $0xffff  }
0x7d: {  	vm1 =	vlt.f32 v17, v1;
	v42 =	vsel vm0, $0x3F800000, v0  }
0x7e: {  	vm15 =	vlt.f32 v14, v1;
	v44 =	vld.idx.msk [tilespmem:v3+s23+$0xA020 ss:$0x1], $0xffff;
	v16 =	vadd.f32 v42, v16;
	v43 =	vsel vm1, $0x3F800000, v0  }
0x7f: {  	v45 =	vsel vm15, $0x3F800000, v0;
	vm4 =	vlt.f32 v12, v1;
	v15 =	vadd.f32 v43, v15  }
0x80: {  	v48 =	vld.idx.msk [tilespmem:v3+s23+$0xA030 ss:$0x1], $0xffff;
	v46 =	vadd.f32 v45, v13;
	v47 =	vsel vm4, $0x3F800000, v0;
	vm5 =	vlt.f32 v11, v1  }
0x81: {  	v49 =	vsel vm5, $0x3F800000, v0;
	vm6 =	vlt.f32 v18, v1;
	vm7 =	vlt.f32 v19, v1  }
0x82: {  	v50 =	vld.idx.msk [tilespmem:v3+s23+$0xA040 ss:$0x1], $0xffff;
	v10 =	vadd.f32 v47, v10;
	v18 =	vsel vm6, $0x3F800000, v0;
	v19 =	vsel vm7, $0x3F800000, v0  }
0x83: {  	vm8 =	vlt.f32 v44, v1;
	v16 =	vadd.f32 v18, v16;
	v51 =	vadd.f32 v19, v15  }
0x84: {  	v52 =	vld.idx.msk [tilespmem:v3+s23+$0xA050 ss:$0x1], $0xffff;
	vm9 =	vlt.f32 v8, v1;
	v6 =	vadd.f32 v49, v6;
	v53 =	vsel vm8, $0x3F800000, v0  }
0x85: {  	vm10 =	vlt.f32 v48, v1;
	v54 =	vadd.f32 v53, v46;
	v55 =	vadd.f32 v51, v16  }
0x86: {  	v57 =	vld.idx.msk [tilespmem:v3+s23+$0xA060 ss:$0x1], $0xffff;
	v56 =	vsel vm9, $0x3F800000, v0;
	vm11 =	vlt.f32 v7, v1;
	v58 =	vsel vm10, $0x3F800000, v0  }
0x87: {  	vm12 =	vlt.f32 v50, v1;
	v10 =	vadd.f32 v58, v10;
	v11 =	vadd.f32 v54, v55  }
0x88: {  	v3 =	vld.idx.msk [tilespmem:v3+s23+$0xA070 ss:$0x1], $0xffff;
	v5 =	vadd.f32 v56, v5;
	v59 =	vsel vm11, $0x3F800000, v0;
	v13 =	vsel vm12, $0x3F800000, v0  }
0x89: {  	vm13 =	vlt.f32 v52, v1;
	v6 =	vadd.f32 v13, v6;
	v60 =	vadd.f32 v10, v11  }
0x8a: {  	v4 =	vadd.f32 v59, v4;
	v61 =	vsel vm13, $0x3F800000, v0  }
0x8b: {  	vm14 =	vlt.f32 v57, v1;
	v5 =	vadd.f32 v61, v5;
	v6 =	vadd.f32 v6, v60  }
0x8c: {  	v2 =	vadd.f32 v9, v2;
	v7 =	vsel vm14, $0x3F800000, v0  }
0x8d: {  	vm15 =	vlt.f32 v3, v1;
	v1 =	vadd.f32 v7, v4;
	v3 =	vadd.f32 v5, v6  }
0x8e: {  	v63 =	vld [tilespmem:s22+$0x14800];
	v62 =	vsel vm15, $0x3F800000, v0  }
0x8f: {  	s21 =	sadd.s32 $0x1, s21;
	v2 =	vadd.f32 v62, v2;
	v1 =	vadd.f32 v1, v3  }
0x90: {  	p1 =	sne.s32 s21, $0x10  }
.Ltmp3:
0x91: {  	v1 =	vadd.f32 v2, v1;
	(pc) =	sbr.rel @p1 .LBB2_7-.Ltmp3, $3  }
0x92: {  	_ = 	snop  }
0x93: {  	v1 =	vadd.f32 v63, v1;
	_ =	sdelay $0x1  }
0x94: {  	s20 =	sadd.s32 $0x1, s20;
	[tilespmem:s22+$0x14800] =	vst v1  }
.Ltmp4:
0x95: {  	(pc) =	sbr.rel @p0 .LBB2_2-.Ltmp4, $4  }
0x96: {  	_ = 	snop  }
0x97: {  	s19 =	sadd.s32 s19, s7  }
0x98: {  	[tilespmem:s14], [sflag:$0x2] =	stream.strided.gather [hbm4b:s19+s12], $0xA000, s13, s12, $0x38;
	[tilespmem:$0x15000] =	vst v63  }
0x99: {  	p1 =	por $0x0, $0x0;
	s19 =	simm.s32 $0x1400  }
0x9a: {  	_ =	swait.ge [sflag:s15], $0xA000  }
0x9b: {  	[sflag:s15] =	ssyncset.done $0x0  }
0x9c: {  	s19 =	simm.s32 $0x0;
	s20 =	simm.s32 $0x0;
	[sflag:s15] =	ssyncadd.s32 $0xFFFF6000  }
.LBB2_12:
0x9d: {  	s21 =	sshrl.u32 s20, $0x3  }
0x9e: {  	s22 =	sand.u32 $0x7, s19;
	s21 =	smul.u32 $0x14000, s21  }
0x9f: {  	s22 =	sshll.u32 s22, $0x9  }
0xa0: {  	s21 =	sor.u32 s22, s21  }
0xa1: {  	s21 =	sshra.s32 s21, $0x2  }
0xa2: {  	s21 =	sor.u32 $0x40, s21  }
0xa3: {  	v3 =	vmov s21;
	_ =	sdelay $0x2  }
0xa4: {  	s21 =	sshll.u32 s20, $0x7  }
0xa5: {  	s24 =	simm.s32 $0x0;
	v1 =	vld [tilespmem:s21+$0x14000]  }
0xa6: {  	v4 =	vld.idx.msk [tilespmem:v3+s24+$0x30 ss:$0x1], $0xffff  }
0xa7: {  	v5 =	vld.idx.msk [tilespmem:v3+s24+$0xFFFFFFC0 ss:$0x1], $0xffff  }
0xa8: {  	v17 =	vld.idx.msk [tilespmem:v3+s24+$0xFFFFFFD0 ss:$0x1], $0xffff  }
0xa9: {  	v14 =	vld.idx.msk [tilespmem:v3+s24+$0xFFFFFFE0 ss:$0x1], $0xffff  }
0xaa: {  	v2 =	vimm.f32 $0.0e+00;
	v16 =	vimm.f32 $0.0e+00;
	v12 =	vld.idx.msk [tilespmem:v3+s24+$0xFFFFFFF0 ss:$0x1], $0xffff  }
0xab: {  	v15 =	vimm.f32 $0.0e+00;
	v13 =	vimm.f32 $0.0e+00;
	v10 =	vimm.f32 $0.0e+00;
	v11 =	vld.idx.msk [tilespmem:v3+s24+$0x0 ss:$0x1], $0xffff  }
0xac: {  	v6 =	vimm.f32 $0.0e+00;
	v8 =	vld.idx.msk [tilespmem:v3+s24+$0x10 ss:$0x1], $0xffff;
	vm1 =	vlt.f32 v4, v1;
	vm0 =	vlt.f32 v5, v1  }
0xad: {  	s23 =	simm.s32 $0x2000;
	s22 =	simm.s32 $0x400;
	v7 =	vld.idx.msk [tilespmem:v3+s24+$0x20 ss:$0x1], $0xffff;
	v5 =	vimm.f32 $0.0e+00;
	v4 =	vimm.f32 $0.0e+00;
	v9 =	vsel vm1, $0x3F800000, v0  }
.LBB2_13:
0xae: {  	p0 =	sne.s32 s23, $0x13000;
	v18 =	vld.idx.msk [tilespmem:v3+s22+$0x30 ss:$0x1], $0xffff;
	v19 =	vsel vm0, $0x3F800000, v0;
	vm0 =	vlt.f32 v17, v1;
	v2 =	vadd.f32 v9, v2  }
0xaf: {  	v9 =	vld.idx.msk [tilespmem:v3+s22+$0xFFFFFFC0 ss:$0x1], $0xffff;
	v16 =	vadd.f32 v19, v16;
	v19 =	vsel vm0, $0x3F800000, v0;
	vm0 =	vlt.f32 v14, v1  }
0xb0: {  	v17 =	vld.idx.msk [tilespmem:v3+s22+$0xFFFFFFD0 ss:$0x1], $0xffff;
	v15 =	vadd.f32 v19, v15;
	v19 =	vsel vm0, $0x3F800000, v0;
	vm0 =	vlt.f32 v12, v1  }
.Ltmp5:
0xb1: {  	v14 =	vld.idx.msk [tilespmem:v3+s22+$0xFFFFFFE0 ss:$0x1], $0xffff;
	v13 =	vadd.f32 v19, v13;
	v19 =	vsel vm0, $0x3F800000, v0;
	vm0 =	vlt.f32 v11, v1;
	(pc) =	sbr.rel @p0 .LBB2_13-.Ltmp5, $4  }
0xb2: {  	v12 =	vld.idx.msk [tilespmem:v3+s22+$0xFFFFFFF0 ss:$0x1], $0xffff;
	v10 =	vadd.f32 v19, v10;
	v19 =	vsel vm0, $0x3F800000, v0;
	vm0 =	vlt.f32 v8, v1  }
0xb3: {  	v11 =	vld.idx.msk [tilespmem:v3+s22+$0x0 ss:$0x1], $0xffff;
	v6 =	vadd.f32 v19, v6;
	v19 =	vsel vm0, $0x3F800000, v0;
	vm0 =	vlt.f32 v7, v1  }
0xb4: {  	vm1 =	vlt.f32 v18, v1;
	v8 =	vld.idx.msk [tilespmem:v3+s22+$0x10 ss:$0x1], $0xffff;
	v5 =	vadd.f32 v19, v5;
	v18 =	vsel vm0, $0x3F800000, v0  }
0xb5: {  	vm0 =	vlt.f32 v9, v1;
	v9 =	vsel vm1, $0x3F800000, v0;
	v7 =	vld.idx.msk [tilespmem:v3+s22+$0x20 ss:$0x1], $0xffff;
	s22 =	sshra.s32 s23, $0x2;
	s23 =	sadd.s32 $0x1000, s23;
	v4 =	vadd.f32 v18, v4  }
0xb6: {  	_ =	sdelay $0x3  }
0xb7: {  	v18 =	vld.idx.msk [tilespmem:v3+s22+$0xFFFFFFC0 ss:$0x1], $0xffff  }
0xb8: {  	v19 =	vld.idx.msk [tilespmem:v3+s22+$0xFFFFFFD0 ss:$0x1], $0xffff  }
0xb9: {  	vm1 =	vlt.f32 v17, v1;
	v42 =	vsel vm0, $0x3F800000, v0  }
0xba: {  	vm15 =	vlt.f32 v14, v1;
	v44 =	vld.idx.msk [tilespmem:v3+s22+$0xFFFFFFE0 ss:$0x1], $0xffff;
	v16 =	vadd.f32 v42, v16;
	v43 =	vsel vm1, $0x3F800000, v0  }
0xbb: {  	v45 =	vsel vm15, $0x3F800000, v0;
	vm4 =	vlt.f32 v12, v1;
	v15 =	vadd.f32 v43, v15  }
0xbc: {  	v48 =	vld.idx.msk [tilespmem:v3+s22+$0xFFFFFFF0 ss:$0x1], $0xffff;
	v46 =	vadd.f32 v45, v13;
	v47 =	vsel vm4, $0x3F800000, v0;
	vm5 =	vlt.f32 v11, v1  }
0xbd: {  	v49 =	vsel vm5, $0x3F800000, v0;
	vm6 =	vlt.f32 v18, v1;
	vm7 =	vlt.f32 v19, v1  }
0xbe: {  	v50 =	vld.idx.msk [tilespmem:v3+s22+$0x0 ss:$0x1], $0xffff;
	v10 =	vadd.f32 v47, v10;
	v18 =	vsel vm6, $0x3F800000, v0;
	v19 =	vsel vm7, $0x3F800000, v0  }
0xbf: {  	vm8 =	vlt.f32 v44, v1;
	v16 =	vadd.f32 v18, v16;
	v51 =	vadd.f32 v19, v15  }
0xc0: {  	v52 =	vld.idx.msk [tilespmem:v3+s22+$0x10 ss:$0x1], $0xffff;
	vm9 =	vlt.f32 v8, v1;
	v6 =	vadd.f32 v49, v6;
	v53 =	vsel vm8, $0x3F800000, v0  }
0xc1: {  	vm10 =	vlt.f32 v48, v1;
	v54 =	vadd.f32 v53, v46;
	v55 =	vadd.f32 v51, v16  }
0xc2: {  	v57 =	vld.idx.msk [tilespmem:v3+s22+$0x20 ss:$0x1], $0xffff;
	v56 =	vsel vm9, $0x3F800000, v0;
	vm11 =	vlt.f32 v7, v1;
	v58 =	vsel vm10, $0x3F800000, v0  }
0xc3: {  	vm12 =	vlt.f32 v50, v1;
	v10 =	vadd.f32 v58, v10;
	v11 =	vadd.f32 v54, v55  }
0xc4: {  	v3 =	vld.idx.msk [tilespmem:v3+s22+$0x30 ss:$0x1], $0xffff;
	v5 =	vadd.f32 v56, v5;
	v59 =	vsel vm11, $0x3F800000, v0;
	v13 =	vsel vm12, $0x3F800000, v0  }
0xc5: {  	vm13 =	vlt.f32 v52, v1;
	v6 =	vadd.f32 v13, v6;
	v60 =	vadd.f32 v10, v11  }
0xc6: {  	v4 =	vadd.f32 v59, v4;
	v61 =	vsel vm13, $0x3F800000, v0  }
0xc7: {  	vm14 =	vlt.f32 v57, v1;
	v5 =	vadd.f32 v61, v5;
	v6 =	vadd.f32 v6, v60  }
0xc8: {  	v2 =	vadd.f32 v9, v2;
	v7 =	vsel vm14, $0x3F800000, v0  }
0xc9: {  	vm15 =	vlt.f32 v3, v1;
	v1 =	vadd.f32 v7, v4;
	v3 =	vadd.f32 v5, v6  }
0xca: {  	v63 =	vld [tilespmem:s21+$0x14800];
	v62 =	vsel vm15, $0x3F800000, v0  }
0xcb: {  	s20 =	sadd.s32 $0x1, s20;
	v2 =	vadd.f32 v62, v2;
	v1 =	vadd.f32 v1, v3  }
0xcc: {  	p0 =	sne.s32 s20, $0x10  }
.Ltmp6:
0xcd: {  	v1 =	vadd.f32 v2, v1;
	(pc) =	sbr.rel @p0 .LBB2_12-.Ltmp6, $3  }
0xce: {  	_ = 	snop  }
0xcf: {  	v1 =	vadd.f32 v63, v1;
	_ =	sdelay $0x1  }
0xd0: {  	s19 =	sadd.s32 $0x1, s19;
	[tilespmem:s21+$0x14800] =	vst v1  }
0xd1: {  	_ =	swait.ge [sflag:s16], $0xA000  }
0xd2: {  	[sflag:s16] =	ssyncset.done $0x0  }
0xd3: {  	s19 =	simm.s32 $0x0;
	s20 =	simm.s32 $0x0;
	[sflag:s16] =	ssyncadd.s32 $0xFFFF6000  }
.LBB2_16:
0xd4: {  	s21 =	sshrl.u32 s20, $0x3  }
0xd5: {  	s22 =	sand.u32 $0x7, s19;
	s21 =	smul.u32 $0x14000, s21  }
0xd6: {  	s22 =	sshll.u32 s22, $0x9  }
0xd7: {  	s21 =	sor.u32 s22, s21  }
0xd8: {  	s21 =	sshra.s32 s21, $0x2  }
0xd9: {  	v3 =	vmov s21;
	_ =	sdelay $0x2  }
0xda: {  	s21 =	sshll.u32 s20, $0x7  }
0xdb: {  	s24 =	simm.s32 $0x0;
	v1 =	vld [tilespmem:s21+$0x14000]  }
0xdc: {  	v4 =	vld.idx.msk [tilespmem:v3+s24+$0xA070 ss:$0x1], $0xffff  }
0xdd: {  	v5 =	vld.idx.msk [tilespmem:v3+s24+$0xA000 ss:$0x1], $0xffff  }
0xde: {  	v17 =	vld.idx.msk [tilespmem:v3+s24+$0xA010 ss:$0x1], $0xffff  }
0xdf: {  	v14 =	vld.idx.msk [tilespmem:v3+s24+$0xA020 ss:$0x1], $0xffff  }
0xe0: {  	v2 =	vimm.f32 $0.0e+00;
	v16 =	vimm.f32 $0.0e+00;
	v12 =	vld.idx.msk [tilespmem:v3+s24+$0xA030 ss:$0x1], $0xffff  }
0xe1: {  	v15 =	vimm.f32 $0.0e+00;
	v13 =	vimm.f32 $0.0e+00;
	v10 =	vimm.f32 $0.0e+00;
	v11 =	vld.idx.msk [tilespmem:v3+s24+$0xA040 ss:$0x1], $0xffff  }
0xe2: {  	v6 =	vimm.f32 $0.0e+00;
	v8 =	vld.idx.msk [tilespmem:v3+s24+$0xA050 ss:$0x1], $0xffff;
	vm1 =	vlt.f32 v4, v1;
	vm0 =	vlt.f32 v5, v1  }
0xe3: {  	s23 =	simm.s32 $0x2000;
	s22 =	simm.s32 $0x400;
	v7 =	vld.idx.msk [tilespmem:v3+s24+$0xA060 ss:$0x1], $0xffff;
	v5 =	vimm.f32 $0.0e+00;
	v4 =	vimm.f32 $0.0e+00;
	v9 =	vsel vm1, $0x3F800000, v0  }
.LBB2_17:
0xe4: {  	p0 =	sne.s32 s23, $0x13000;
	v18 =	vld.idx.msk [tilespmem:v3+s22+$0xA070 ss:$0x1], $0xffff;
	v19 =	vsel vm0, $0x3F800000, v0;
	vm0 =	vlt.f32 v17, v1;
	v2 =	vadd.f32 v9, v2  }
0xe5: {  	v9 =	vld.idx.msk [tilespmem:v3+s22+$0xA000 ss:$0x1], $0xffff;
	v16 =	vadd.f32 v19, v16;
	v19 =	vsel vm0, $0x3F800000, v0;
	vm0 =	vlt.f32 v14, v1  }
0xe6: {  	v17 =	vld.idx.msk [tilespmem:v3+s22+$0xA010 ss:$0x1], $0xffff;
	v15 =	vadd.f32 v19, v15;
	v19 =	vsel vm0, $0x3F800000, v0;
	vm0 =	vlt.f32 v12, v1  }
.Ltmp7:
0xe7: {  	v14 =	vld.idx.msk [tilespmem:v3+s22+$0xA020 ss:$0x1], $0xffff;
	v13 =	vadd.f32 v19, v13;
	v19 =	vsel vm0, $0x3F800000, v0;
	vm0 =	vlt.f32 v11, v1;
	(pc) =	sbr.rel @p0 .LBB2_17-.Ltmp7, $4  }
0xe8: {  	v12 =	vld.idx.msk [tilespmem:v3+s22+$0xA030 ss:$0x1], $0xffff;
	v10 =	vadd.f32 v19, v10;
	v19 =	vsel vm0, $0x3F800000, v0;
	vm0 =	vlt.f32 v8, v1  }
0xe9: {  	v11 =	vld.idx.msk [tilespmem:v3+s22+$0xA040 ss:$0x1], $0xffff;
	v6 =	vadd.f32 v19, v6;
	v19 =	vsel vm0, $0x3F800000, v0;
	vm0 =	vlt.f32 v7, v1  }
0xea: {  	vm1 =	vlt.f32 v18, v1;
	v8 =	vld.idx.msk [tilespmem:v3+s22+$0xA050 ss:$0x1], $0xffff;
	v5 =	vadd.f32 v19, v5;
	v18 =	vsel vm0, $0x3F800000, v0  }
0xeb: {  	vm0 =	vlt.f32 v9, v1;
	v9 =	vsel vm1, $0x3F800000, v0;
	v7 =	vld.idx.msk [tilespmem:v3+s22+$0xA060 ss:$0x1], $0xffff;
	s22 =	sshra.s32 s23, $0x2;
	s23 =	sadd.s32 $0x1000, s23;
	v4 =	vadd.f32 v18, v4  }
0xec: {  	_ =	sdelay $0x3  }
0xed: {  	v18 =	vld.idx.msk [tilespmem:v3+s22+$0xA000 ss:$0x1], $0xffff  }
0xee: {  	v19 =	vld.idx.msk [tilespmem:v3+s22+$0xA010 ss:$0x1], $0xffff  }
0xef: {  	vm1 =	vlt.f32 v17, v1;
	v42 =	vsel vm0, $0x3F800000, v0  }
0xf0: {  	vm15 =	vlt.f32 v14, v1;
	v44 =	vld.idx.msk [tilespmem:v3+s22+$0xA020 ss:$0x1], $0xffff;
	v16 =	vadd.f32 v42, v16;
	v43 =	vsel vm1, $0x3F800000, v0  }
0xf1: {  	v45 =	vsel vm15, $0x3F800000, v0;
	vm4 =	vlt.f32 v12, v1;
	v15 =	vadd.f32 v43, v15  }
0xf2: {  	v48 =	vld.idx.msk [tilespmem:v3+s22+$0xA030 ss:$0x1], $0xffff;
	v46 =	vadd.f32 v45, v13;
	v47 =	vsel vm4, $0x3F800000, v0;
	vm5 =	vlt.f32 v11, v1  }
0xf3: {  	v49 =	vsel vm5, $0x3F800000, v0;
	vm6 =	vlt.f32 v18, v1;
	vm7 =	vlt.f32 v19, v1  }
0xf4: {  	v50 =	vld.idx.msk [tilespmem:v3+s22+$0xA040 ss:$0x1], $0xffff;
	v10 =	vadd.f32 v47, v10;
	v18 =	vsel vm6, $0x3F800000, v0;
	v19 =	vsel vm7, $0x3F800000, v0  }
0xf5: {  	vm8 =	vlt.f32 v44, v1;
	v16 =	vadd.f32 v18, v16;
	v51 =	vadd.f32 v19, v15  }
0xf6: {  	v52 =	vld.idx.msk [tilespmem:v3+s22+$0xA050 ss:$0x1], $0xffff;
	vm9 =	vlt.f32 v8, v1;
	v6 =	vadd.f32 v49, v6;
	v53 =	vsel vm8, $0x3F800000, v0  }
0xf7: {  	vm10 =	vlt.f32 v48, v1;
	v54 =	vadd.f32 v53, v46;
	v55 =	vadd.f32 v51, v16  }
0xf8: {  	v57 =	vld.idx.msk [tilespmem:v3+s22+$0xA060 ss:$0x1], $0xffff;
	v56 =	vsel vm9, $0x3F800000, v0;
	vm11 =	vlt.f32 v7, v1;
	v58 =	vsel vm10, $0x3F800000, v0  }
0xf9: {  	vm12 =	vlt.f32 v50, v1;
	v10 =	vadd.f32 v58, v10;
	v11 =	vadd.f32 v54, v55  }
0xfa: {  	v3 =	vld.idx.msk [tilespmem:v3+s22+$0xA070 ss:$0x1], $0xffff;
	v5 =	vadd.f32 v56, v5;
	v59 =	vsel vm11, $0x3F800000, v0;
	v13 =	vsel vm12, $0x3F800000, v0  }
0xfb: {  	vm13 =	vlt.f32 v52, v1;
	v6 =	vadd.f32 v13, v6;
	v60 =	vadd.f32 v10, v11  }
0xfc: {  	v4 =	vadd.f32 v59, v4;
	v61 =	vsel vm13, $0x3F800000, v0  }
0xfd: {  	vm14 =	vlt.f32 v57, v1;
	v5 =	vadd.f32 v61, v5;
	v6 =	vadd.f32 v6, v60  }
0xfe: {  	v2 =	vadd.f32 v9, v2;
	v7 =	vsel vm14, $0x3F800000, v0  }
0xff: {  	vm15 =	vlt.f32 v3, v1;
	v1 =	vadd.f32 v7, v4;
	v3 =	vadd.f32 v5, v6  }
0x100: {  	v63 =	vld [tilespmem:s21+$0x14800];
	v62 =	vsel vm15, $0x3F800000, v0  }
0x101: {  	s20 =	sadd.s32 $0x1, s20;
	v2 =	vadd.f32 v62, v2;
	v1 =	vadd.f32 v1, v3  }
0x102: {  	p0 =	sne.s32 s20, $0x10  }
.Ltmp8:
0x103: {  	v1 =	vadd.f32 v2, v1;
	(pc) =	sbr.rel @p0 .LBB2_16-.Ltmp8, $3  }
0x104: {  	_ = 	snop  }
0x105: {  	v1 =	vadd.f32 v63, v1;
	_ =	sdelay $0x1  }
0x106: {  	s19 =	sadd.s32 $0x1, s19;
	[tilespmem:s21+$0x14800] =	vst v1  }
0x107: {  	s18 =	sadd.s32 $0x1, s18  }
0x108: {  	p0 =	sne.s32 s18, s9  }
.Ltmp9:
0x109: {  	_ = 	snop;
	(pc) =	sbr.rel @p0 .LBB2_1-.Ltmp9, $4  }
0x10a: {  	[hbm4b:s8+s2] =	stream.linear.scatter [tilespmem:s17], [sflag:$0x3], $0x800, $0x38;
	[tilespmem:$0x15000] =	vst v63  }
0x10b: {  	_ =	swait.ge [sflag:s11], $0x800  }
0x10c: {  	[sflag:s11] =	ssyncset.done $0x0  }
0x10d: {  	[sflag:s11] =	ssyncadd.s32 $0xFFFFF800  }
0x10e: {  	_ =	sfence.sel $0x180000  }
0x10f: {  	[bflag:$0x0] =	sbarrier.arrive $0xFFFF  }
0x110: {  	p0 =	sne.s32 s1, $0x0;
	_ =	strace $0x90000047  }
0x111: {  	s0 =	sadd.s32 @!p0 $0x100000, s0;
	[bflag:$0x2] =	sbarrier.arrive $0xFFFF  }
0x112: {  	[sflag:s0] =	ssyncadd.tile.s32 @!p0 $0x1;
	_ =	shalt  }
.Lfunc_end2:
_tile_overlayer_lowered:
.L_overlay_start_2:
0x113: {  	(tag) =	ssettag $0x2  }
0x114: {  	s0 =	rddreg [dreg:$0x0];
	s2 =	stileid.u32  }
0x115: {  	s1 =	rddreg [dreg:$0x1];
	p0 =	sne.s32 s2, $0x0  }
0x116: {  	s3 =	rddreg [dreg:$0x2];
	[bflag:$0x3] =	sbarrier.arrive $0xFFFF;
	s2 =	simm.s32 @!p0 $0x1C03  }
0x117: {  	[timem:s3], [sflag:s2] =	dma.local @!p0 [hbm:s0], s1  }
0x118: {  	s0 =	simm.s32 @!p0 $0x3  }
0x119: {  	_ =	swait.ge @!p0 [sflag:s0], s1  }
0x11a: {  	s1 =	ssub.s32 @!p0 $0x0, s1;
	[sflag:s0] =	ssyncset.done @!p0 $0x0  }
0x11b: {  	[sflag:s0] =	ssyncadd.s32 @!p0 s1  }
0x11c: {  	[bflag:$0x3] =	sbarrier.arrive $0xFFFF  }
0x11d: {  	_ =	shalt  }

</sc_bundles>
